<compile_context>
chip_gen: v7x
topology: tpu7x:2x2x1
jax: 0.10.2.dev20260603
libtpu: 0.0.44.dev20260713+nightly
codegen_flags: <defaults>
</compile_context>

<pallas_src>
import functools

import jax
import jax.numpy as jnp
from jax import lax
from jax.experimental import pallas as pl
from jax.experimental.pallas import tpu as pltpu
from jax.experimental.pallas import tpu_sc as plsc

_VOCAB = 100000
_SEQ = 200
_DIM = 64
_BATCH = 4096

_NC = 2
_NS = 16
_NW = _NC * _NS
_TOTAL = _BATCH * _SEQ
_CH = 128
_B_TC = 0
_N_TC = _B_TC * _SEQ
_SC_TOTAL = _TOTAL - _N_TC
_PER_W = _SC_TOTAL // _NW
_NCHUNK = _PER_W // _CH
_NBUF = 8
_FD = 5
_PD = 3


def _sc_embed(idx_flat, token_table, pos_table):
    mesh = plsc.VectorSubcoreMesh(core_axis_name="c", subcore_axis_name="s")

    @functools.partial(
        pl.kernel,
        out_type=jax.ShapeDtypeStruct((_TOTAL, _DIM), jnp.float32),
        mesh=mesh,
        compiler_params=pltpu.CompilerParams(use_tc_tiling_on_sc=False),
        scratch_types=[
            pltpu.VMEM_SHARED((2 * _SEQ, _DIM), jnp.float32),
            pltpu.VMEM((_PER_W,), jnp.int32),
            [pltpu.VMEM((_CH, _DIM), jnp.float32)] * _NBUF,
            [pltpu.SemaphoreType.DMA] * _NBUF,
            [pltpu.SemaphoreType.DMA] * _NBUF,
            [pltpu.SemaphoreType.DMA] * _NBUF,
        ],
    )
    def k(idx_hbm, tok_hbm, pos_hbm, out_hbm,
          pos2_s, idx_v, rows, fsem, gsem, osem):
        wid = lax.axis_index("s") * _NC + lax.axis_index("c")
        base = _N_TC + wid * _PER_W
        pltpu.sync_copy(idx_hbm.at[pl.ds(base, _PER_W)], idx_v)

        @pl.when(lax.axis_index("s") == 0)
        def _():
            pltpu.sync_copy(pos_hbm, pos2_s.at[pl.ds(0, _SEQ)])
            pltpu.sync_copy(pos_hbm, pos2_s.at[pl.ds(_SEQ, _SEQ)])

        plsc.subcore_barrier()

        def fill(j, b):
            pj = lax.rem(j * _CH, _SEQ)
            pltpu.async_copy(pos2_s.at[pl.ds(pj, _CH)], rows[b], fsem[b])

        def fill_wait(b):
            pltpu.make_async_copy(
                pos2_s.at[pl.ds(0, _CH)], rows[b], fsem[b]).wait()

        def gather_add(j, b):
            pltpu.async_copy(
                tok_hbm.at[idx_v.at[pl.ds(j * _CH, _CH)]], rows[b], gsem[b],
                add=True)

        def gather_wait(b):
            pltpu.make_async_copy(
                tok_hbm.at[idx_v.at[pl.ds(0, _CH)]], rows[b], gsem[b]).wait()

        def store(j, b):
            return pltpu.make_async_copy(
                rows[b], out_hbm.at[pl.ds(base + j * _CH, _CH)], osem[b])

        for b in range(_FD):
            fill(b, b)
        for b in range(_PD):
            fill_wait(b)
            gather_add(b, b)

        @pl.loop(0, _NCHUNK, step=_NBUF)
        def _chunks(i0):
            for b in range(_NBUF):
                i = i0 + b
                jf = i + _FD
                bf = (b + _FD) % _NBUF

                @pl.when(jf < _NCHUNK)
                def _():
                    @pl.when(jf >= _NBUF)
                    def _():
                        store(0, bf).wait()

                    fill(jf, bf)

                jg = i + _PD
                bg = (b + _PD) % _NBUF

                @pl.when(jg < _NCHUNK)
                def _():
                    fill_wait(bg)
                    gather_add(jg, bg)

                gather_wait(b)
                store(i, b).start()

        for b in range(_NBUF):
            store(0, b).wait()

    return k(idx_flat, token_table, pos_table)


def kernel(inputs, token_table, pos_table):
    idx_flat = jnp.reshape(inputs, (-1,)).astype(jnp.int32)
    out = _sc_embed(idx_flat, token_table, pos_table)
    if _B_TC:
        tc_part = (jnp.take(token_table,
                            inputs[:_B_TC].astype(jnp.int32), axis=0)
                   + pos_table[None, :, :]).reshape(_N_TC, _DIM)
        out = lax.dynamic_update_slice(out, tc_part, (0, 0))
    return out.reshape(_BATCH, _SEQ, _DIM)

# --- scband reference (transcript-rebuilt; emitter-appended) ---
"""Pipeline reference for scband-move-embedding-12086037971253 (READ-ONLY COPY).

The authoritative reference and input builder live on the scoring server;
editing this copy changes nothing except your own understanding.
"""

import jax, jax.numpy as jnp
import numpy as np

VOCAB = 100000
SEQ = 200
DIM = 64
BATCH = 4096

def _pos_encoding_matrix(max_len, d_emb):
    pos_enc = np.array([[pos / np.power(10000, 2 * (j // 2) / d_emb) for j in range(d_emb)] if pos != 0 else np.zeros(d_emb) for pos in range(max_len)])
    pos_enc[1:, 0::2] = np.sin(pos_enc[1:, 0::2])
    pos_enc[1:, 1::2] = np.cos(pos_enc[1:, 1::2])
    return pos_enc.astype(np.float32)

def setup_inputs(seed: int = 0) -> dict:
    key = jax.random.key(seed)
    k1, k2 = jax.random.split(key)
    inputs = jax.random.randint(k1, (BATCH, SEQ), 0, VOCAB, dtype=jnp.int64 if jax.config.jax_enable_x64 else jnp.int32)
    token_table = jax.random.normal(k2, (VOCAB, DIM), dtype=jnp.float32) * 0.05
    pos_table = jnp.asarray(_pos_encoding_matrix(SEQ, DIM))
    return {"inputs": inputs, "token_table": token_table, "pos_table": pos_table}

def reference(inputs, token_table, pos_table):
    # token embedding lookup: gather rows from token_table
    token_embeddings = jnp.take(token_table, inputs, axis=0)  # [B, S, D]
    # positional embedding lookup over range(seq_length)
    positions = jnp.arange(SEQ)
    token_position_embeddings = jnp.take(pos_table, positions, axis=0)  # [S, D]
    move_embedding = token_embeddings + token_position_embeddings[None, :, :]
    return move_embedding

if __name__ == "__main__":
    import jax
    _d = setup_inputs()
    print(jax.jit(kernel)(*tuple(_d.values())))

</pallas_src>

<mosaic_0001>
#map = affine_map<(d0, d1) -> (0)>
#map1 = affine_map<(d0, d1) -> (0, 0)>
module attributes {stable_mosaic.version = 14 : i64} {
  func.func @k(%arg0: i32, %arg1: i32, %arg2: memref<819200xi32, #tpu.memory_space<hbm>>, %arg3: memref<100000x64xf32, #tpu.memory_space<hbm>>, %arg4: memref<200x64xf32, #tpu.memory_space<hbm>>, %arg5: memref<819200x64xf32, #tpu.memory_space<hbm>>, %arg6: memref<400x64xf32, #tpu.memory_space<vmem_shared>>, %arg7: memref<25600xi32, #tpu.memory_space<vmem>>, %arg8: memref<128x64xf32, #tpu.memory_space<vmem>>, %arg9: memref<128x64xf32, #tpu.memory_space<vmem>>, %arg10: memref<128x64xf32, #tpu.memory_space<vmem>>, %arg11: memref<128x64xf32, #tpu.memory_space<vmem>>, %arg12: memref<128x64xf32, #tpu.memory_space<vmem>>, %arg13: memref<128x64xf32, #tpu.memory_space<vmem>>, %arg14: memref<128x64xf32, #tpu.memory_space<vmem>>, %arg15: memref<128x64xf32, #tpu.memory_space<vmem>>, %arg16: memref<!tpu.dma_semaphore, #tpu.memory_space<semaphore_mem>>, %arg17: memref<!tpu.dma_semaphore, #tpu.memory_space<semaphore_mem>>, %arg18: memref<!tpu.dma_semaphore, #tpu.memory_space<semaphore_mem>>, %arg19: memref<!tpu.dma_semaphore, #tpu.memory_space<semaphore_mem>>, %arg20: memref<!tpu.dma_semaphore, #tpu.memory_space<semaphore_mem>>, %arg21: memref<!tpu.dma_semaphore, #tpu.memory_space<semaphore_mem>>, %arg22: memref<!tpu.dma_semaphore, #tpu.memory_space<semaphore_mem>>, %arg23: memref<!tpu.dma_semaphore, #tpu.memory_space<semaphore_mem>>, %arg24: memref<!tpu.dma_semaphore, #tpu.memory_space<semaphore_mem>>, %arg25: memref<!tpu.dma_semaphore, #tpu.memory_space<semaphore_mem>>, %arg26: memref<!tpu.dma_semaphore, #tpu.memory_space<semaphore_mem>>, %arg27: memref<!tpu.dma_semaphore, #tpu.memory_space<semaphore_mem>>, %arg28: memref<!tpu.dma_semaphore, #tpu.memory_space<semaphore_mem>>, %arg29: memref<!tpu.dma_semaphore, #tpu.memory_space<semaphore_mem>>, %arg30: memref<!tpu.dma_semaphore, #tpu.memory_space<semaphore_mem>>, %arg31: memref<!tpu.dma_semaphore, #tpu.memory_space<semaphore_mem>>, %arg32: memref<!tpu.dma_semaphore, #tpu.memory_space<semaphore_mem>>, %arg33: memref<!tpu.dma_semaphore, #tpu.memory_space<semaphore_mem>>, %arg34: memref<!tpu.dma_semaphore, #tpu.memory_space<semaphore_mem>>, %arg35: memref<!tpu.dma_semaphore, #tpu.memory_space<semaphore_mem>>, %arg36: memref<!tpu.dma_semaphore, #tpu.memory_space<semaphore_mem>>, %arg37: memref<!tpu.dma_semaphore, #tpu.memory_space<semaphore_mem>>, %arg38: memref<!tpu.dma_semaphore, #tpu.memory_space<semaphore_mem>>, %arg39: memref<!tpu.dma_semaphore, #tpu.memory_space<semaphore_mem>>) attributes {dimension_semantics = [#tpu.dimension_semantics<core_parallel>, #tpu.dimension_semantics<subcore_parallel>], iteration_bounds = array<i64: 2, 16>, scalar_prefetch = 0 : i64, scratch_operands = 34 : i64, tpu.core_type = #tpu.core_type<sc_vector_subcore>, window_params = [{transform_indices = #map}, {transform_indices = #map1}, {transform_indices = #map1}, {transform_indices = #map1}]} {
    %mul3A = arith.constant 2 : i32
    %mul3A_0 = arith.muli %arg1, %mul3A : i32
    %add3A = arith.addi %mul3A_0, %arg0 : i32
    %mul3A_1 = arith.constant 25600 : i32
    %mul3A_2 = arith.muli %add3A, %mul3A_1 : i32
    %add3A_3 = arith.constant 0 : i32
    %add3A_4 = arith.addi %add3A_3, %mul3A_2 : i32
    "tpu.region"() ({
      %run_scoped3A = tpu.sem_alloc : memref<!tpu.dma_semaphore, #tpu.memory_space<semaphore_mem>>
      %dma_start3A_124 = tpu.memref_slice %arg2[%add3A_4] : memref<819200xi32, #tpu.memory_space<hbm>> -> memref<25600xi32, #tpu.memory_space<hbm>>
      %dma_start3A_125 = tpu.memref_slice %arg2[%add3A_4] : memref<819200xi32, #tpu.memory_space<hbm>> -> memref<25600xi32, #tpu.memory_space<hbm>>
      tpu.enqueue_dma source(%dma_start3A_125 : memref<25600xi32, #tpu.memory_space<hbm>>) target(%arg7 : memref<25600xi32, #tpu.memory_space<vmem>>) target_semaphore(%run_scoped3A : memref<!tpu.dma_semaphore, #tpu.memory_space<semaphore_mem>>)
      %dma_wait3A_126 = tpu.memref_slice %arg2[%add3A_4] : memref<819200xi32, #tpu.memory_space<hbm>> -> memref<25600xi32, #tpu.memory_space<hbm>>
      %dma_wait3A_127 = tpu.memref_slice %arg2[%add3A_4] : memref<819200xi32, #tpu.memory_space<hbm>> -> memref<25600xi32, #tpu.memory_space<hbm>>
      tpu.wait_dma2 semaphore(%run_scoped3A : memref<!tpu.dma_semaphore, #tpu.memory_space<semaphore_mem>>) src(%dma_wait3A_127 : memref<25600xi32, #tpu.memory_space<hbm>>) dst(%arg7 : memref<25600xi32, #tpu.memory_space<vmem>>)
      tpu.yield
    }) : () -> ()
    %eq3A = arith.constant 0 : i32
    %eq3A_5 = arith.cmpi eq, %arg1, %eq3A : i32
    %convert_element_type3A = arith.extui %eq3A_5 : i1 to i32
    %cond3A = arith.constant 0 : i32
    %cond3A_6 = arith.cmpi ne, %convert_element_type3A, %cond3A : i32
    scf.if %cond3A_6 {
      "tpu.region"() ({
        %run_scoped3A = tpu.sem_alloc : memref<!tpu.dma_semaphore, #tpu.memory_space<semaphore_mem>>
        %dma_start3A_124 = arith.constant 0 : i32
        %dma_start3A_125 = arith.constant 0 : i32
        %dma_start3A_126 = tpu.memref_slice %arg6[%dma_start3A_124, %dma_start3A_125] : memref<400x64xf32, #tpu.memory_space<vmem_shared>> -> memref<200x64xf32, #tpu.memory_space<vmem_shared>>
        tpu.enqueue_dma source(%arg4 : memref<200x64xf32, #tpu.memory_space<hbm>>) target(%dma_start3A_126 : memref<200x64xf32, #tpu.memory_space<vmem_shared>>) target_semaphore(%run_scoped3A : memref<!tpu.dma_semaphore, #tpu.memory_space<semaphore_mem>>)
        %dma_wait3A_127 = arith.constant 0 : i32
        %dma_wait3A_128 = arith.constant 0 : i32
        %dma_wait3A_129 = tpu.memref_slice %arg6[%dma_wait3A_127, %dma_wait3A_128] : memref<400x64xf32, #tpu.memory_space<vmem_shared>> -> memref<200x64xf32, #tpu.memory_space<vmem_shared>>
        tpu.wait_dma2 semaphore(%run_scoped3A : memref<!tpu.dma_semaphore, #tpu.memory_space<semaphore_mem>>) src(%arg4 : memref<200x64xf32, #tpu.memory_space<hbm>>) dst(%dma_wait3A_129 : memref<200x64xf32, #tpu.memory_space<vmem_shared>>)
        tpu.yield
      }) : () -> ()
      "tpu.region"() ({
        %run_scoped3A = tpu.sem_alloc : memref<!tpu.dma_semaphore, #tpu.memory_space<semaphore_mem>>
        %dma_start3A_124 = arith.constant 200 : i32
        %dma_start3A_125 = arith.constant 0 : i32
        %dma_start3A_126 = tpu.memref_slice %arg6[%dma_start3A_124, %dma_start3A_125] : memref<400x64xf32, #tpu.memory_space<vmem_shared>> -> memref<200x64xf32, #tpu.memory_space<vmem_shared>>
        tpu.enqueue_dma source(%arg4 : memref<200x64xf32, #tpu.memory_space<hbm>>) target(%dma_start3A_126 : memref<200x64xf32, #tpu.memory_space<vmem_shared>>) target_semaphore(%run_scoped3A : memref<!tpu.dma_semaphore, #tpu.memory_space<semaphore_mem>>)
        %dma_wait3A_127 = arith.constant 200 : i32
        %dma_wait3A_128 = arith.constant 0 : i32
        %dma_wait3A_129 = tpu.memref_slice %arg6[%dma_wait3A_127, %dma_wait3A_128] : memref<400x64xf32, #tpu.memory_space<vmem_shared>> -> memref<200x64xf32, #tpu.memory_space<vmem_shared>>
        tpu.wait_dma2 semaphore(%run_scoped3A : memref<!tpu.dma_semaphore, #tpu.memory_space<semaphore_mem>>) src(%arg4 : memref<200x64xf32, #tpu.memory_space<hbm>>) dst(%dma_wait3A_129 : memref<200x64xf32, #tpu.memory_space<vmem_shared>>)
        tpu.yield
      }) : () -> ()
    } else {
    }
    %barrier3A = arith.constant 0 : index
    tpu.barrier barrier_id(%barrier3A)
    %rem3A = arith.constant 0 : i32
    %rem3A_7 = arith.constant 200 : i32
    %rem3A_8 = arith.remsi %rem3A, %rem3A_7 : i32
    %dma_start3A = arith.constant 0 : i32
    %dma_start3A_9 = tpu.memref_slice %arg6[%rem3A_8, %dma_start3A] : memref<400x64xf32, #tpu.memory_space<vmem_shared>> -> memref<128x64xf32, #tpu.memory_space<vmem_shared>>
    %dma_start3A_10 = arith.constant 0 : i32
    %dma_start3A_11 = tpu.memref_slice %arg6[%rem3A_8, %dma_start3A_10] : memref<400x64xf32, #tpu.memory_space<vmem_shared>> -> memref<128x64xf32, #tpu.memory_space<vmem_shared>>
    tpu.enqueue_dma source(%dma_start3A_11 : memref<128x64xf32, #tpu.memory_space<vmem_shared>>) target(%arg8 : memref<128x64xf32, #tpu.memory_space<vmem>>) target_semaphore(%arg16 : memref<!tpu.dma_semaphore, #tpu.memory_space<semaphore_mem>>)
    %rem3A_12 = arith.constant 128 : i32
    %rem3A_13 = arith.constant 200 : i32
    %rem3A_14 = arith.remsi %rem3A_12, %rem3A_13 : i32
    %dma_start3A_15 = arith.constant 0 : i32
    %dma_start3A_16 = tpu.memref_slice %arg6[%rem3A_14, %dma_start3A_15] : memref<400x64xf32, #tpu.memory_space<vmem_shared>> -> memref<128x64xf32, #tpu.memory_space<vmem_shared>>
    %dma_start3A_17 = arith.constant 0 : i32
    %dma_start3A_18 = tpu.memref_slice %arg6[%rem3A_14, %dma_start3A_17] : memref<400x64xf32, #tpu.memory_space<vmem_shared>> -> memref<128x64xf32, #tpu.memory_space<vmem_shared>>
    tpu.enqueue_dma source(%dma_start3A_18 : memref<128x64xf32, #tpu.memory_space<vmem_shared>>) target(%arg9 : memref<128x64xf32, #tpu.memory_space<vmem>>) target_semaphore(%arg17 : memref<!tpu.dma_semaphore, #tpu.memory_space<semaphore_mem>>)
    %rem3A_19 = arith.constant 256 : i32
    %rem3A_20 = arith.constant 200 : i32
    %rem3A_21 = arith.remsi %rem3A_19, %rem3A_20 : i32
    %dma_start3A_22 = arith.constant 0 : i32
    %dma_start3A_23 = tpu.memref_slice %arg6[%rem3A_21, %dma_start3A_22] : memref<400x64xf32, #tpu.memory_space<vmem_shared>> -> memref<128x64xf32, #tpu.memory_space<vmem_shared>>
    %dma_start3A_24 = arith.constant 0 : i32
    %dma_start3A_25 = tpu.memref_slice %arg6[%rem3A_21, %dma_start3A_24] : memref<400x64xf32, #tpu.memory_space<vmem_shared>> -> memref<128x64xf32, #tpu.memory_space<vmem_shared>>
    tpu.enqueue_dma source(%dma_start3A_25 : memref<128x64xf32, #tpu.memory_space<vmem_shared>>) target(%arg10 : memref<128x64xf32, #tpu.memory_space<vmem>>) target_semaphore(%arg18 : memref<!tpu.dma_semaphore, #tpu.memory_space<semaphore_mem>>)
    %rem3A_26 = arith.constant 384 : i32
    %rem3A_27 = arith.constant 200 : i32
    %rem3A_28 = arith.remsi %rem3A_26, %rem3A_27 : i32
    %dma_start3A_29 = arith.constant 0 : i32
    %dma_start3A_30 = tpu.memref_slice %arg6[%rem3A_28, %dma_start3A_29] : memref<400x64xf32, #tpu.memory_space<vmem_shared>> -> memref<128x64xf32, #tpu.memory_space<vmem_shared>>
    %dma_start3A_31 = arith.constant 0 : i32
    %dma_start3A_32 = tpu.memref_slice %arg6[%rem3A_28, %dma_start3A_31] : memref<400x64xf32, #tpu.memory_space<vmem_shared>> -> memref<128x64xf32, #tpu.memory_space<vmem_shared>>
    tpu.enqueue_dma source(%dma_start3A_32 : memref<128x64xf32, #tpu.memory_space<vmem_shared>>) target(%arg11 : memref<128x64xf32, #tpu.memory_space<vmem>>) target_semaphore(%arg19 : memref<!tpu.dma_semaphore, #tpu.memory_space<semaphore_mem>>)
    %rem3A_33 = arith.constant 512 : i32
    %rem3A_34 = arith.constant 200 : i32
    %rem3A_35 = arith.remsi %rem3A_33, %rem3A_34 : i32
    %dma_start3A_36 = arith.constant 0 : i32
    %dma_start3A_37 = tpu.memref_slice %arg6[%rem3A_35, %dma_start3A_36] : memref<400x64xf32, #tpu.memory_space<vmem_shared>> -> memref<128x64xf32, #tpu.memory_space<vmem_shared>>
    %dma_start3A_38 = arith.constant 0 : i32
    %dma_start3A_39 = tpu.memref_slice %arg6[%rem3A_35, %dma_start3A_38] : memref<400x64xf32, #tpu.memory_space<vmem_shared>> -> memref<128x64xf32, #tpu.memory_space<vmem_shared>>
    tpu.enqueue_dma source(%dma_start3A_39 : memref<128x64xf32, #tpu.memory_space<vmem_shared>>) target(%arg12 : memref<128x64xf32, #tpu.memory_space<vmem>>) target_semaphore(%arg20 : memref<!tpu.dma_semaphore, #tpu.memory_space<semaphore_mem>>)
    %dma_wait3A = arith.constant 0 : i32
    %dma_wait3A_40 = arith.constant 0 : i32
    %dma_wait3A_41 = tpu.memref_slice %arg6[%dma_wait3A, %dma_wait3A_40] : memref<400x64xf32, #tpu.memory_space<vmem_shared>> -> memref<128x64xf32, #tpu.memory_space<vmem_shared>>
    %dma_wait3A_42 = arith.constant 0 : i32
    %dma_wait3A_43 = arith.constant 0 : i32
    %dma_wait3A_44 = tpu.memref_slice %arg6[%dma_wait3A_42, %dma_wait3A_43] : memref<400x64xf32, #tpu.memory_space<vmem_shared>> -> memref<128x64xf32, #tpu.memory_space<vmem_shared>>
    tpu.wait_dma2 semaphore(%arg16 : memref<!tpu.dma_semaphore, #tpu.memory_space<semaphore_mem>>) src(%dma_wait3A_44 : memref<128x64xf32, #tpu.memory_space<vmem_shared>>) dst(%arg8 : memref<128x64xf32, #tpu.memory_space<vmem>>)
    %dma_start3A_45 = arith.constant 0 : i32
    %dma_start3A_46 = tpu.memref_slice %arg7[%dma_start3A_45] : memref<25600xi32, #tpu.memory_space<vmem>> -> memref<128xi32, #tpu.memory_space<vmem>>
    %dma_start3A_47 = arith.constant 0 : i32
    %dma_start3A_48 = arith.constant 0 : i32
    %dma_start3A_49 = tpu.memref_slice %arg3[%dma_start3A_47, %dma_start3A_48] : memref<100000x64xf32, #tpu.memory_space<hbm>> -> memref<100000x64xf32, #tpu.memory_space<hbm>>
    tpu.enqueue_indirect_dma source(%dma_start3A_49 : memref<100000x64xf32, #tpu.memory_space<hbm>>) target(%arg8 : memref<128x64xf32, #tpu.memory_space<vmem>>) offsets(%dma_start3A_46 : memref<128xi32, #tpu.memory_space<vmem>>) semaphore(%arg24 : memref<!tpu.dma_semaphore, #tpu.memory_space<semaphore_mem>>) {add = true}
    %dma_wait3A_50 = arith.constant 0 : i32
    %dma_wait3A_51 = arith.constant 0 : i32
    %dma_wait3A_52 = tpu.memref_slice %arg6[%dma_wait3A_50, %dma_wait3A_51] : memref<400x64xf32, #tpu.memory_space<vmem_shared>> -> memref<128x64xf32, #tpu.memory_space<vmem_shared>>
    %dma_wait3A_53 = arith.constant 0 : i32
    %dma_wait3A_54 = arith.constant 0 : i32
    %dma_wait3A_55 = tpu.memref_slice %arg6[%dma_wait3A_53, %dma_wait3A_54] : memref<400x64xf32, #tpu.memory_space<vmem_shared>> -> memref<128x64xf32, #tpu.memory_space<vmem_shared>>
    tpu.wait_dma2 semaphore(%arg17 : memref<!tpu.dma_semaphore, #tpu.memory_space<semaphore_mem>>) src(%dma_wait3A_55 : memref<128x64xf32, #tpu.memory_space<vmem_shared>>) dst(%arg9 : memref<128x64xf32, #tpu.memory_space<vmem>>)
    %dma_start3A_56 = arith.constant 128 : i32
    %dma_start3A_57 = tpu.memref_slice %arg7[%dma_start3A_56] : memref<25600xi32, #tpu.memory_space<vmem>> -> memref<128xi32, #tpu.memory_space<vmem>>
    %dma_start3A_58 = arith.constant 0 : i32
    %dma_start3A_59 = arith.constant 0 : i32
    %dma_start3A_60 = tpu.memref_slice %arg3[%dma_start3A_58, %dma_start3A_59] : memref<100000x64xf32, #tpu.memory_space<hbm>> -> memref<100000x64xf32, #tpu.memory_space<hbm>>
    tpu.enqueue_indirect_dma source(%dma_start3A_60 : memref<100000x64xf32, #tpu.memory_space<hbm>>) target(%arg9 : memref<128x64xf32, #tpu.memory_space<vmem>>) offsets(%dma_start3A_57 : memref<128xi32, #tpu.memory_space<vmem>>) semaphore(%arg25 : memref<!tpu.dma_semaphore, #tpu.memory_space<semaphore_mem>>) {add = true}
    %dma_wait3A_61 = arith.constant 0 : i32
    %dma_wait3A_62 = arith.constant 0 : i32
    %dma_wait3A_63 = tpu.memref_slice %arg6[%dma_wait3A_61, %dma_wait3A_62] : memref<400x64xf32, #tpu.memory_space<vmem_shared>> -> memref<128x64xf32, #tpu.memory_space<vmem_shared>>
    %dma_wait3A_64 = arith.constant 0 : i32
    %dma_wait3A_65 = arith.constant 0 : i32
    %dma_wait3A_66 = tpu.memref_slice %arg6[%dma_wait3A_64, %dma_wait3A_65] : memref<400x64xf32, #tpu.memory_space<vmem_shared>> -> memref<128x64xf32, #tpu.memory_space<vmem_shared>>
    tpu.wait_dma2 semaphore(%arg18 : memref<!tpu.dma_semaphore, #tpu.memory_space<semaphore_mem>>) src(%dma_wait3A_66 : memref<128x64xf32, #tpu.memory_space<vmem_shared>>) dst(%arg10 : memref<128x64xf32, #tpu.memory_space<vmem>>)
    %dma_start3A_67 = arith.constant 256 : i32
    %dma_start3A_68 = tpu.memref_slice %arg7[%dma_start3A_67] : memref<25600xi32, #tpu.memory_space<vmem>> -> memref<128xi32, #tpu.memory_space<vmem>>
    %dma_start3A_69 = arith.constant 0 : i32
    %dma_start3A_70 = arith.constant 0 : i32
    %dma_start3A_71 = tpu.memref_slice %arg3[%dma_start3A_69, %dma_start3A_70] : memref<100000x64xf32, #tpu.memory_space<hbm>> -> memref<100000x64xf32, #tpu.memory_space<hbm>>
    tpu.enqueue_indirect_dma source(%dma_start3A_71 : memref<100000x64xf32, #tpu.memory_space<hbm>>) target(%arg10 : memref<128x64xf32, #tpu.memory_space<vmem>>) offsets(%dma_start3A_68 : memref<128xi32, #tpu.memory_space<vmem>>) semaphore(%arg26 : memref<!tpu.dma_semaphore, #tpu.memory_space<semaphore_mem>>) {add = true}
    %scan3A = arith.constant 0 : i32
    %scan3A_72 = arith.constant 25 : i32
    %scan3A_73 = arith.addi %scan3A, %scan3A_72 : i32
    %scan3A_74 = arith.constant 1 : i32
    scf.for %scan3A_124 = %scan3A to %scan3A_73 step %scan3A_74  : i32 {
      %mul3A_125 = arith.constant 8 : i32
      %mul3A_126 = arith.muli %scan3A_124, %mul3A_125 : i32
      %add3A_127 = arith.constant 0 : i32
      %add3A_128 = arith.addi %add3A_127, %mul3A_126 : i32
      %add3A_129 = arith.constant 0 : i32
      %add3A_130 = arith.addi %add3A_128, %add3A_129 : i32
      %add3A_131 = arith.constant 5 : i32
      %add3A_132 = arith.addi %add3A_130, %add3A_131 : i32
      %lt3A = arith.constant 200 : i32
      %lt3A_133 = arith.cmpi slt, %add3A_132, %lt3A : i32
      %convert_element_type3A_134 = arith.extui %lt3A_133 : i1 to i32
      %cond3A_135 = arith.constant 0 : i32
      %cond3A_136 = arith.cmpi ne, %convert_element_type3A_134, %cond3A_135 : i32
      scf.if %cond3A_136 {
        %ge3A = arith.constant 8 : i32
        %ge3A_352 = arith.cmpi sge, %add3A_132, %ge3A : i32
        %convert_element_type3A_353 = arith.extui %ge3A_352 : i1 to i32
        %cond3A_354 = arith.constant 0 : i32
        %cond3A_355 = arith.cmpi ne, %convert_element_type3A_353, %cond3A_354 : i32
        scf.if %cond3A_355 {
          %add3A_364 = arith.constant 0 : i32
          %add3A_365 = arith.addi %add3A_4, %add3A_364 : i32
          %dma_wait3A_366 = arith.constant 0 : i32
          %dma_wait3A_367 = tpu.memref_slice %arg5[%add3A_365, %dma_wait3A_366] : memref<819200x64xf32, #tpu.memory_space<hbm>> -> memref<128x64xf32, #tpu.memory_space<hbm>>
          %dma_wait3A_368 = arith.constant 0 : i32
          %dma_wait3A_369 = tpu.memref_slice %arg5[%add3A_365, %dma_wait3A_368] : memref<819200x64xf32, #tpu.memory_space<hbm>> -> memref<128x64xf32, #tpu.memory_space<hbm>>
          tpu.wait_dma2 semaphore(%arg37 : memref<!tpu.dma_semaphore, #tpu.memory_space<semaphore_mem>>) src(%arg13 : memref<128x64xf32, #tpu.memory_space<vmem>>) dst(%dma_wait3A_369 : memref<128x64xf32, #tpu.memory_space<hbm>>)
        } else {
        }
        %mul3A_356 = arith.constant 128 : i32
        %mul3A_357 = arith.muli %add3A_132, %mul3A_356 : i32
        %rem3A_358 = arith.constant 200 : i32
        %rem3A_359 = arith.remsi %mul3A_357, %rem3A_358 : i32
        %dma_start3A_360 = arith.constant 0 : i32
        %dma_start3A_361 = tpu.memref_slice %arg6[%rem3A_359, %dma_start3A_360] : memref<400x64xf32, #tpu.memory_space<vmem_shared>> -> memref<128x64xf32, #tpu.memory_space<vmem_shared>>
        %dma_start3A_362 = arith.constant 0 : i32
        %dma_start3A_363 = tpu.memref_slice %arg6[%rem3A_359, %dma_start3A_362] : memref<400x64xf32, #tpu.memory_space<vmem_shared>> -> memref<128x64xf32, #tpu.memory_space<vmem_shared>>
        tpu.enqueue_dma source(%dma_start3A_363 : memref<128x64xf32, #tpu.memory_space<vmem_shared>>) target(%arg13 : memref<128x64xf32, #tpu.memory_space<vmem>>) target_semaphore(%arg21 : memref<!tpu.dma_semaphore, #tpu.memory_space<semaphore_mem>>)
      } else {
      }
      %add3A_137 = arith.constant 3 : i32
      %add3A_138 = arith.addi %add3A_130, %add3A_137 : i32
      %lt3A_139 = arith.constant 200 : i32
      %lt3A_140 = arith.cmpi slt, %add3A_138, %lt3A_139 : i32
      %convert_element_type3A_141 = arith.extui %lt3A_140 : i1 to i32
      %cond3A_142 = arith.constant 0 : i32
      %cond3A_143 = arith.cmpi ne, %convert_element_type3A_141, %cond3A_142 : i32
      scf.if %cond3A_143 {
        %dma_wait3A_352 = arith.constant 0 : i32
        %dma_wait3A_353 = arith.constant 0 : i32
        %dma_wait3A_354 = tpu.memref_slice %arg6[%dma_wait3A_352, %dma_wait3A_353] : memref<400x64xf32, #tpu.memory_space<vmem_shared>> -> memref<128x64xf32, #tpu.memory_space<vmem_shared>>
        %dma_wait3A_355 = arith.constant 0 : i32
        %dma_wait3A_356 = arith.constant 0 : i32
        %dma_wait3A_357 = tpu.memref_slice %arg6[%dma_wait3A_355, %dma_wait3A_356] : memref<400x64xf32, #tpu.memory_space<vmem_shared>> -> memref<128x64xf32, #tpu.memory_space<vmem_shared>>
        tpu.wait_dma2 semaphore(%arg19 : memref<!tpu.dma_semaphore, #tpu.memory_space<semaphore_mem>>) src(%dma_wait3A_357 : memref<128x64xf32, #tpu.memory_space<vmem_shared>>) dst(%arg11 : memref<128x64xf32, #tpu.memory_space<vmem>>)
        %mul3A_358 = arith.constant 128 : i32
        %mul3A_359 = arith.muli %add3A_138, %mul3A_358 : i32
        %dma_start3A_360 = tpu.memref_slice %arg7[%mul3A_359] : memref<25600xi32, #tpu.memory_space<vmem>> -> memref<128xi32, #tpu.memory_space<vmem>>
        %dma_start3A_361 = arith.constant 0 : i32
        %dma_start3A_362 = arith.constant 0 : i32
        %dma_start3A_363 = tpu.memref_slice %arg3[%dma_start3A_361, %dma_start3A_362] : memref<100000x64xf32, #tpu.memory_space<hbm>> -> memref<100000x64xf32, #tpu.memory_space<hbm>>
        tpu.enqueue_indirect_dma source(%dma_start3A_363 : memref<100000x64xf32, #tpu.memory_space<hbm>>) target(%arg11 : memref<128x64xf32, #tpu.memory_space<vmem>>) offsets(%dma_start3A_360 : memref<128xi32, #tpu.memory_space<vmem>>) semaphore(%arg27 : memref<!tpu.dma_semaphore, #tpu.memory_space<semaphore_mem>>) {add = true}
      } else {
      }
      %dma_wait3A_144 = arith.constant 0 : i32
      %dma_wait3A_145 = tpu.memref_slice %arg7[%dma_wait3A_144] : memref<25600xi32, #tpu.memory_space<vmem>> -> memref<128xi32, #tpu.memory_space<vmem>>
      %dma_wait3A_146 = arith.constant 0 : i32
      %dma_wait3A_147 = arith.constant 0 : i32
      %dma_wait3A_148 = tpu.memref_slice %arg3[%dma_wait3A_146, %dma_wait3A_147] : memref<100000x64xf32, #tpu.memory_space<hbm>> -> memref<100000x64xf32, #tpu.memory_space<hbm>>
      tpu.wait_indirect_dma semaphore(%arg24 : memref<!tpu.dma_semaphore, #tpu.memory_space<semaphore_mem>>) src(%dma_wait3A_148 : memref<100000x64xf32, #tpu.memory_space<hbm>>) dst(%arg8 : memref<128x64xf32, #tpu.memory_space<vmem>>)
      %mul3A_149 = arith.constant 128 : i32
      %mul3A_150 = arith.muli %add3A_130, %mul3A_149 : i32
      %add3A_151 = arith.addi %add3A_4, %mul3A_150 : i32
      %dma_start3A_152 = arith.constant 0 : i32
      %dma_start3A_153 = tpu.memref_slice %arg5[%add3A_151, %dma_start3A_152] : memref<819200x64xf32, #tpu.memory_space<hbm>> -> memref<128x64xf32, #tpu.memory_space<hbm>>
      %dma_start3A_154 = arith.constant 0 : i32
      %dma_start3A_155 = tpu.memref_slice %arg5[%add3A_151, %dma_start3A_154] : memref<819200x64xf32, #tpu.memory_space<hbm>> -> memref<128x64xf32, #tpu.memory_space<hbm>>
      tpu.enqueue_dma source(%arg8 : memref<128x64xf32, #tpu.memory_space<vmem>>) target(%dma_start3A_155 : memref<128x64xf32, #tpu.memory_space<hbm>>) target_semaphore(%arg32 : memref<!tpu.dma_semaphore, #tpu.memory_space<semaphore_mem>>)
      %add3A_156 = arith.constant 1 : i32
      %add3A_157 = arith.addi %add3A_128, %add3A_156 : i32
      %add3A_158 = arith.constant 5 : i32
      %add3A_159 = arith.addi %add3A_157, %add3A_158 : i32
      %lt3A_160 = arith.constant 200 : i32
      %lt3A_161 = arith.cmpi slt, %add3A_159, %lt3A_160 : i32
      %convert_element_type3A_162 = arith.extui %lt3A_161 : i1 to i32
      %cond3A_163 = arith.constant 0 : i32
      %cond3A_164 = arith.cmpi ne, %convert_element_type3A_162, %cond3A_163 : i32
      scf.if %cond3A_164 {
        %ge3A = arith.constant 8 : i32
        %ge3A_352 = arith.cmpi sge, %add3A_159, %ge3A : i32
        %convert_element_type3A_353 = arith.extui %ge3A_352 : i1 to i32
        %cond3A_354 = arith.constant 0 : i32
        %cond3A_355 = arith.cmpi ne, %convert_element_type3A_353, %cond3A_354 : i32
        scf.if %cond3A_355 {
          %add3A_364 = arith.constant 0 : i32
          %add3A_365 = arith.addi %add3A_4, %add3A_364 : i32
          %dma_wait3A_366 = arith.constant 0 : i32
          %dma_wait3A_367 = tpu.memref_slice %arg5[%add3A_365, %dma_wait3A_366] : memref<819200x64xf32, #tpu.memory_space<hbm>> -> memref<128x64xf32, #tpu.memory_space<hbm>>
          %dma_wait3A_368 = arith.constant 0 : i32
          %dma_wait3A_369 = tpu.memref_slice %arg5[%add3A_365, %dma_wait3A_368] : memref<819200x64xf32, #tpu.memory_space<hbm>> -> memref<128x64xf32, #tpu.memory_space<hbm>>
          tpu.wait_dma2 semaphore(%arg38 : memref<!tpu.dma_semaphore, #tpu.memory_space<semaphore_mem>>) src(%arg14 : memref<128x64xf32, #tpu.memory_space<vmem>>) dst(%dma_wait3A_369 : memref<128x64xf32, #tpu.memory_space<hbm>>)
        } else {
        }
        %mul3A_356 = arith.constant 128 : i32
        %mul3A_357 = arith.muli %add3A_159, %mul3A_356 : i32
        %rem3A_358 = arith.constant 200 : i32
        %rem3A_359 = arith.remsi %mul3A_357, %rem3A_358 : i32
        %dma_start3A_360 = arith.constant 0 : i32
        %dma_start3A_361 = tpu.memref_slice %arg6[%rem3A_359, %dma_start3A_360] : memref<400x64xf32, #tpu.memory_space<vmem_shared>> -> memref<128x64xf32, #tpu.memory_space<vmem_shared>>
        %dma_start3A_362 = arith.constant 0 : i32
        %dma_start3A_363 = tpu.memref_slice %arg6[%rem3A_359, %dma_start3A_362] : memref<400x64xf32, #tpu.memory_space<vmem_shared>> -> memref<128x64xf32, #tpu.memory_space<vmem_shared>>
        tpu.enqueue_dma source(%dma_start3A_363 : memref<128x64xf32, #tpu.memory_space<vmem_shared>>) target(%arg14 : memref<128x64xf32, #tpu.memory_space<vmem>>) target_semaphore(%arg22 : memref<!tpu.dma_semaphore, #tpu.memory_space<semaphore_mem>>)
      } else {
      }
      %add3A_165 = arith.constant 3 : i32
      %add3A_166 = arith.addi %add3A_157, %add3A_165 : i32
      %lt3A_167 = arith.constant 200 : i32
      %lt3A_168 = arith.cmpi slt, %add3A_166, %lt3A_167 : i32
      %convert_element_type3A_169 = arith.extui %lt3A_168 : i1 to i32
      %cond3A_170 = arith.constant 0 : i32
      %cond3A_171 = arith.cmpi ne, %convert_element_type3A_169, %cond3A_170 : i32
      scf.if %cond3A_171 {
        %dma_wait3A_352 = arith.constant 0 : i32
        %dma_wait3A_353 = arith.constant 0 : i32
        %dma_wait3A_354 = tpu.memref_slice %arg6[%dma_wait3A_352, %dma_wait3A_353] : memref<400x64xf32, #tpu.memory_space<vmem_shared>> -> memref<128x64xf32, #tpu.memory_space<vmem_shared>>
        %dma_wait3A_355 = arith.constant 0 : i32
        %dma_wait3A_356 = arith.constant 0 : i32
        %dma_wait3A_357 = tpu.memref_slice %arg6[%dma_wait3A_355, %dma_wait3A_356] : memref<400x64xf32, #tpu.memory_space<vmem_shared>> -> memref<128x64xf32, #tpu.memory_space<vmem_shared>>
        tpu.wait_dma2 semaphore(%arg20 : memref<!tpu.dma_semaphore, #tpu.memory_space<semaphore_mem>>) src(%dma_wait3A_357 : memref<128x64xf32, #tpu.memory_space<vmem_shared>>) dst(%arg12 : memref<128x64xf32, #tpu.memory_space<vmem>>)
        %mul3A_358 = arith.constant 128 : i32
        %mul3A_359 = arith.muli %add3A_166, %mul3A_358 : i32
        %dma_start3A_360 = tpu.memref_slice %arg7[%mul3A_359] : memref<25600xi32, #tpu.memory_space<vmem>> -> memref<128xi32, #tpu.memory_space<vmem>>
        %dma_start3A_361 = arith.constant 0 : i32
        %dma_start3A_362 = arith.constant 0 : i32
        %dma_start3A_363 = tpu.memref_slice %arg3[%dma_start3A_361, %dma_start3A_362] : memref<100000x64xf32, #tpu.memory_space<hbm>> -> memref<100000x64xf32, #tpu.memory_space<hbm>>
        tpu.enqueue_indirect_dma source(%dma_start3A_363 : memref<100000x64xf32, #tpu.memory_space<hbm>>) target(%arg12 : memref<128x64xf32, #tpu.memory_space<vmem>>) offsets(%dma_start3A_360 : memref<128xi32, #tpu.memory_space<vmem>>) semaphore(%arg28 : memref<!tpu.dma_semaphore, #tpu.memory_space<semaphore_mem>>) {add = true}
      } else {
      }
      %dma_wait3A_172 = arith.constant 0 : i32
      %dma_wait3A_173 = tpu.memref_slice %arg7[%dma_wait3A_172] : memref<25600xi32, #tpu.memory_space<vmem>> -> memref<128xi32, #tpu.memory_space<vmem>>
      %dma_wait3A_174 = arith.constant 0 : i32
      %dma_wait3A_175 = arith.constant 0 : i32
      %dma_wait3A_176 = tpu.memref_slice %arg3[%dma_wait3A_174, %dma_wait3A_175] : memref<100000x64xf32, #tpu.memory_space<hbm>> -> memref<100000x64xf32, #tpu.memory_space<hbm>>
      tpu.wait_indirect_dma semaphore(%arg25 : memref<!tpu.dma_semaphore, #tpu.memory_space<semaphore_mem>>) src(%dma_wait3A_176 : memref<100000x64xf32, #tpu.memory_space<hbm>>) dst(%arg9 : memref<128x64xf32, #tpu.memory_space<vmem>>)
      %mul3A_177 = arith.constant 128 : i32
      %mul3A_178 = arith.muli %add3A_157, %mul3A_177 : i32
      %add3A_179 = arith.addi %add3A_4, %mul3A_178 : i32
      %dma_start3A_180 = arith.constant 0 : i32
      %dma_start3A_181 = tpu.memref_slice %arg5[%add3A_179, %dma_start3A_180] : memref<819200x64xf32, #tpu.memory_space<hbm>> -> memref<128x64xf32, #tpu.memory_space<hbm>>
      %dma_start3A_182 = arith.constant 0 : i32
      %dma_start3A_183 = tpu.memref_slice %arg5[%add3A_179, %dma_start3A_182] : memref<819200x64xf32, #tpu.memory_space<hbm>> -> memref<128x64xf32, #tpu.memory_space<hbm>>
      tpu.enqueue_dma source(%arg9 : memref<128x64xf32, #tpu.memory_space<vmem>>) target(%dma_start3A_183 : memref<128x64xf32, #tpu.memory_space<hbm>>) target_semaphore(%arg33 : memref<!tpu.dma_semaphore, #tpu.memory_space<semaphore_mem>>)
      %add3A_184 = arith.constant 2 : i32
      %add3A_185 = arith.addi %add3A_128, %add3A_184 : i32
      %add3A_186 = arith.constant 5 : i32
      %add3A_187 = arith.addi %add3A_185, %add3A_186 : i32
      %lt3A_188 = arith.constant 200 : i32
      %lt3A_189 = arith.cmpi slt, %add3A_187, %lt3A_188 : i32
      %convert_element_type3A_190 = arith.extui %lt3A_189 : i1 to i32
      %cond3A_191 = arith.constant 0 : i32
      %cond3A_192 = arith.cmpi ne, %convert_element_type3A_190, %cond3A_191 : i32
      scf.if %cond3A_192 {
        %ge3A = arith.constant 8 : i32
        %ge3A_352 = arith.cmpi sge, %add3A_187, %ge3A : i32
        %convert_element_type3A_353 = arith.extui %ge3A_352 : i1 to i32
        %cond3A_354 = arith.constant 0 : i32
        %cond3A_355 = arith.cmpi ne, %convert_element_type3A_353, %cond3A_354 : i32
        scf.if %cond3A_355 {
          %add3A_364 = arith.constant 0 : i32
          %add3A_365 = arith.addi %add3A_4, %add3A_364 : i32
          %dma_wait3A_366 = arith.constant 0 : i32
          %dma_wait3A_367 = tpu.memref_slice %arg5[%add3A_365, %dma_wait3A_366] : memref<819200x64xf32, #tpu.memory_space<hbm>> -> memref<128x64xf32, #tpu.memory_space<hbm>>
          %dma_wait3A_368 = arith.constant 0 : i32
          %dma_wait3A_369 = tpu.memref_slice %arg5[%add3A_365, %dma_wait3A_368] : memref<819200x64xf32, #tpu.memory_space<hbm>> -> memref<128x64xf32, #tpu.memory_space<hbm>>
          tpu.wait_dma2 semaphore(%arg39 : memref<!tpu.dma_semaphore, #tpu.memory_space<semaphore_mem>>) src(%arg15 : memref<128x64xf32, #tpu.memory_space<vmem>>) dst(%dma_wait3A_369 : memref<128x64xf32, #tpu.memory_space<hbm>>)
        } else {
        }
        %mul3A_356 = arith.constant 128 : i32
        %mul3A_357 = arith.muli %add3A_187, %mul3A_356 : i32
        %rem3A_358 = arith.constant 200 : i32
        %rem3A_359 = arith.remsi %mul3A_357, %rem3A_358 : i32
        %dma_start3A_360 = arith.constant 0 : i32
        %dma_start3A_361 = tpu.memref_slice %arg6[%rem3A_359, %dma_start3A_360] : memref<400x64xf32, #tpu.memory_space<vmem_shared>> -> memref<128x64xf32, #tpu.memory_space<vmem_shared>>
        %dma_start3A_362 = arith.constant 0 : i32
        %dma_start3A_363 = tpu.memref_slice %arg6[%rem3A_359, %dma_start3A_362] : memref<400x64xf32, #tpu.memory_space<vmem_shared>> -> memref<128x64xf32, #tpu.memory_space<vmem_shared>>
        tpu.enqueue_dma source(%dma_start3A_363 : memref<128x64xf32, #tpu.memory_space<vmem_shared>>) target(%arg15 : memref<128x64xf32, #tpu.memory_space<vmem>>) target_semaphore(%arg23 : memref<!tpu.dma_semaphore, #tpu.memory_space<semaphore_mem>>)
      } else {
      }
      %add3A_193 = arith.constant 3 : i32
      %add3A_194 = arith.addi %add3A_185, %add3A_193 : i32
      %lt3A_195 = arith.constant 200 : i32
      %lt3A_196 = arith.cmpi slt, %add3A_194, %lt3A_195 : i32
      %convert_element_type3A_197 = arith.extui %lt3A_196 : i1 to i32
      %cond3A_198 = arith.constant 0 : i32
      %cond3A_199 = arith.cmpi ne, %convert_element_type3A_197, %cond3A_198 : i32
      scf.if %cond3A_199 {
        %dma_wait3A_352 = arith.constant 0 : i32
        %dma_wait3A_353 = arith.constant 0 : i32
        %dma_wait3A_354 = tpu.memref_slice %arg6[%dma_wait3A_352, %dma_wait3A_353] : memref<400x64xf32, #tpu.memory_space<vmem_shared>> -> memref<128x64xf32, #tpu.memory_space<vmem_shared>>
        %dma_wait3A_355 = arith.constant 0 : i32
        %dma_wait3A_356 = arith.constant 0 : i32
        %dma_wait3A_357 = tpu.memref_slice %arg6[%dma_wait3A_355, %dma_wait3A_356] : memref<400x64xf32, #tpu.memory_space<vmem_shared>> -> memref<128x64xf32, #tpu.memory_space<vmem_shared>>
        tpu.wait_dma2 semaphore(%arg21 : memref<!tpu.dma_semaphore, #tpu.memory_space<semaphore_mem>>) src(%dma_wait3A_357 : memref<128x64xf32, #tpu.memory_space<vmem_shared>>) dst(%arg13 : memref<128x64xf32, #tpu.memory_space<vmem>>)
        %mul3A_358 = arith.constant 128 : i32
        %mul3A_359 = arith.muli %add3A_194, %mul3A_358 : i32
        %dma_start3A_360 = tpu.memref_slice %arg7[%mul3A_359] : memref<25600xi32, #tpu.memory_space<vmem>> -> memref<128xi32, #tpu.memory_space<vmem>>
        %dma_start3A_361 = arith.constant 0 : i32
        %dma_start3A_362 = arith.constant 0 : i32
        %dma_start3A_363 = tpu.memref_slice %arg3[%dma_start3A_361, %dma_start3A_362] : memref<100000x64xf32, #tpu.memory_space<hbm>> -> memref<100000x64xf32, #tpu.memory_space<hbm>>
        tpu.enqueue_indirect_dma source(%dma_start3A_363 : memref<100000x64xf32, #tpu.memory_space<hbm>>) target(%arg13 : memref<128x64xf32, #tpu.memory_space<vmem>>) offsets(%dma_start3A_360 : memref<128xi32, #tpu.memory_space<vmem>>) semaphore(%arg29 : memref<!tpu.dma_semaphore, #tpu.memory_space<semaphore_mem>>) {add = true}
      } else {
      }
      %dma_wait3A_200 = arith.constant 0 : i32
      %dma_wait3A_201 = tpu.memref_slice %arg7[%dma_wait3A_200] : memref<25600xi32, #tpu.memory_space<vmem>> -> memref<128xi32, #tpu.memory_space<vmem>>
      %dma_wait3A_202 = arith.constant 0 : i32
      %dma_wait3A_203 = arith.constant 0 : i32
      %dma_wait3A_204 = tpu.memref_slice %arg3[%dma_wait3A_202, %dma_wait3A_203] : memref<100000x64xf32, #tpu.memory_space<hbm>> -> memref<100000x64xf32, #tpu.memory_space<hbm>>
      tpu.wait_indirect_dma semaphore(%arg26 : memref<!tpu.dma_semaphore, #tpu.memory_space<semaphore_mem>>) src(%dma_wait3A_204 : memref<100000x64xf32, #tpu.memory_space<hbm>>) dst(%arg10 : memref<128x64xf32, #tpu.memory_space<vmem>>)
      %mul3A_205 = arith.constant 128 : i32
      %mul3A_206 = arith.muli %add3A_185, %mul3A_205 : i32
      %add3A_207 = arith.addi %add3A_4, %mul3A_206 : i32
      %dma_start3A_208 = arith.constant 0 : i32
      %dma_start3A_209 = tpu.memref_slice %arg5[%add3A_207, %dma_start3A_208] : memref<819200x64xf32, #tpu.memory_space<hbm>> -> memref<128x64xf32, #tpu.memory_space<hbm>>
      %dma_start3A_210 = arith.constant 0 : i32
      %dma_start3A_211 = tpu.memref_slice %arg5[%add3A_207, %dma_start3A_210] : memref<819200x64xf32, #tpu.memory_space<hbm>> -> memref<128x64xf32, #tpu.memory_space<hbm>>
      tpu.enqueue_dma source(%arg10 : memref<128x64xf32, #tpu.memory_space<vmem>>) target(%dma_start3A_211 : memref<128x64xf32, #tpu.memory_space<hbm>>) target_semaphore(%arg34 : memref<!tpu.dma_semaphore, #tpu.memory_space<semaphore_mem>>)
      %add3A_212 = arith.constant 3 : i32
      %add3A_213 = arith.addi %add3A_128, %add3A_212 : i32
      %add3A_214 = arith.constant 5 : i32
      %add3A_215 = arith.addi %add3A_213, %add3A_214 : i32
      %lt3A_216 = arith.constant 200 : i32
      %lt3A_217 = arith.cmpi slt, %add3A_215, %lt3A_216 : i32
      %convert_element_type3A_218 = arith.extui %lt3A_217 : i1 to i32
      %cond3A_219 = arith.constant 0 : i32
      %cond3A_220 = arith.cmpi ne, %convert_element_type3A_218, %cond3A_219 : i32
      scf.if %cond3A_220 {
        %ge3A = arith.constant 8 : i32
        %ge3A_352 = arith.cmpi sge, %add3A_215, %ge3A : i32
        %convert_element_type3A_353 = arith.extui %ge3A_352 : i1 to i32
        %cond3A_354 = arith.constant 0 : i32
        %cond3A_355 = arith.cmpi ne, %convert_element_type3A_353, %cond3A_354 : i32
        scf.if %cond3A_355 {
          %add3A_364 = arith.constant 0 : i32
          %add3A_365 = arith.addi %add3A_4, %add3A_364 : i32
          %dma_wait3A_366 = arith.constant 0 : i32
          %dma_wait3A_367 = tpu.memref_slice %arg5[%add3A_365, %dma_wait3A_366] : memref<819200x64xf32, #tpu.memory_space<hbm>> -> memref<128x64xf32, #tpu.memory_space<hbm>>
          %dma_wait3A_368 = arith.constant 0 : i32
          %dma_wait3A_369 = tpu.memref_slice %arg5[%add3A_365, %dma_wait3A_368] : memref<819200x64xf32, #tpu.memory_space<hbm>> -> memref<128x64xf32, #tpu.memory_space<hbm>>
          tpu.wait_dma2 semaphore(%arg32 : memref<!tpu.dma_semaphore, #tpu.memory_space<semaphore_mem>>) src(%arg8 : memref<128x64xf32, #tpu.memory_space<vmem>>) dst(%dma_wait3A_369 : memref<128x64xf32, #tpu.memory_space<hbm>>)
        } else {
        }
        %mul3A_356 = arith.constant 128 : i32
        %mul3A_357 = arith.muli %add3A_215, %mul3A_356 : i32
        %rem3A_358 = arith.constant 200 : i32
        %rem3A_359 = arith.remsi %mul3A_357, %rem3A_358 : i32
        %dma_start3A_360 = arith.constant 0 : i32
        %dma_start3A_361 = tpu.memref_slice %arg6[%rem3A_359, %dma_start3A_360] : memref<400x64xf32, #tpu.memory_space<vmem_shared>> -> memref<128x64xf32, #tpu.memory_space<vmem_shared>>
        %dma_start3A_362 = arith.constant 0 : i32
        %dma_start3A_363 = tpu.memref_slice %arg6[%rem3A_359, %dma_start3A_362] : memref<400x64xf32, #tpu.memory_space<vmem_shared>> -> memref<128x64xf32, #tpu.memory_space<vmem_shared>>
        tpu.enqueue_dma source(%dma_start3A_363 : memref<128x64xf32, #tpu.memory_space<vmem_shared>>) target(%arg8 : memref<128x64xf32, #tpu.memory_space<vmem>>) target_semaphore(%arg16 : memref<!tpu.dma_semaphore, #tpu.memory_space<semaphore_mem>>)
      } else {
      }
      %add3A_221 = arith.constant 3 : i32
      %add3A_222 = arith.addi %add3A_213, %add3A_221 : i32
      %lt3A_223 = arith.constant 200 : i32
      %lt3A_224 = arith.cmpi slt, %add3A_222, %lt3A_223 : i32
      %convert_element_type3A_225 = arith.extui %lt3A_224 : i1 to i32
      %cond3A_226 = arith.constant 0 : i32
      %cond3A_227 = arith.cmpi ne, %convert_element_type3A_225, %cond3A_226 : i32
      scf.if %cond3A_227 {
        %dma_wait3A_352 = arith.constant 0 : i32
        %dma_wait3A_353 = arith.constant 0 : i32
        %dma_wait3A_354 = tpu.memref_slice %arg6[%dma_wait3A_352, %dma_wait3A_353] : memref<400x64xf32, #tpu.memory_space<vmem_shared>> -> memref<128x64xf32, #tpu.memory_space<vmem_shared>>
        %dma_wait3A_355 = arith.constant 0 : i32
        %dma_wait3A_356 = arith.constant 0 : i32
        %dma_wait3A_357 = tpu.memref_slice %arg6[%dma_wait3A_355, %dma_wait3A_356] : memref<400x64xf32, #tpu.memory_space<vmem_shared>> -> memref<128x64xf32, #tpu.memory_space<vmem_shared>>
        tpu.wait_dma2 semaphore(%arg22 : memref<!tpu.dma_semaphore, #tpu.memory_space<semaphore_mem>>) src(%dma_wait3A_357 : memref<128x64xf32, #tpu.memory_space<vmem_shared>>) dst(%arg14 : memref<128x64xf32, #tpu.memory_space<vmem>>)
        %mul3A_358 = arith.constant 128 : i32
        %mul3A_359 = arith.muli %add3A_222, %mul3A_358 : i32
        %dma_start3A_360 = tpu.memref_slice %arg7[%mul3A_359] : memref<25600xi32, #tpu.memory_space<vmem>> -> memref<128xi32, #tpu.memory_space<vmem>>
        %dma_start3A_361 = arith.constant 0 : i32
        %dma_start3A_362 = arith.constant 0 : i32
        %dma_start3A_363 = tpu.memref_slice %arg3[%dma_start3A_361, %dma_start3A_362] : memref<100000x64xf32, #tpu.memory_space<hbm>> -> memref<100000x64xf32, #tpu.memory_space<hbm>>
        tpu.enqueue_indirect_dma source(%dma_start3A_363 : memref<100000x64xf32, #tpu.memory_space<hbm>>) target(%arg14 : memref<128x64xf32, #tpu.memory_space<vmem>>) offsets(%dma_start3A_360 : memref<128xi32, #tpu.memory_space<vmem>>) semaphore(%arg30 : memref<!tpu.dma_semaphore, #tpu.memory_space<semaphore_mem>>) {add = true}
      } else {
      }
      %dma_wait3A_228 = arith.constant 0 : i32
      %dma_wait3A_229 = tpu.memref_slice %arg7[%dma_wait3A_228] : memref<25600xi32, #tpu.memory_space<vmem>> -> memref<128xi32, #tpu.memory_space<vmem>>
      %dma_wait3A_230 = arith.constant 0 : i32
      %dma_wait3A_231 = arith.constant 0 : i32
      %dma_wait3A_232 = tpu.memref_slice %arg3[%dma_wait3A_230, %dma_wait3A_231] : memref<100000x64xf32, #tpu.memory_space<hbm>> -> memref<100000x64xf32, #tpu.memory_space<hbm>>
      tpu.wait_indirect_dma semaphore(%arg27 : memref<!tpu.dma_semaphore, #tpu.memory_space<semaphore_mem>>) src(%dma_wait3A_232 : memref<100000x64xf32, #tpu.memory_space<hbm>>) dst(%arg11 : memref<128x64xf32, #tpu.memory_space<vmem>>)
      %mul3A_233 = arith.constant 128 : i32
      %mul3A_234 = arith.muli %add3A_213, %mul3A_233 : i32
      %add3A_235 = arith.addi %add3A_4, %mul3A_234 : i32
      %dma_start3A_236 = arith.constant 0 : i32
      %dma_start3A_237 = tpu.memref_slice %arg5[%add3A_235, %dma_start3A_236] : memref<819200x64xf32, #tpu.memory_space<hbm>> -> memref<128x64xf32, #tpu.memory_space<hbm>>
      %dma_start3A_238 = arith.constant 0 : i32
      %dma_start3A_239 = tpu.memref_slice %arg5[%add3A_235, %dma_start3A_238] : memref<819200x64xf32, #tpu.memory_space<hbm>> -> memref<128x64xf32, #tpu.memory_space<hbm>>
      tpu.enqueue_dma source(%arg11 : memref<128x64xf32, #tpu.memory_space<vmem>>) target(%dma_start3A_239 : memref<128x64xf32, #tpu.memory_space<hbm>>) target_semaphore(%arg35 : memref<!tpu.dma_semaphore, #tpu.memory_space<semaphore_mem>>)
      %add3A_240 = arith.constant 4 : i32
      %add3A_241 = arith.addi %add3A_128, %add3A_240 : i32
      %add3A_242 = arith.constant 5 : i32
      %add3A_243 = arith.addi %add3A_241, %add3A_242 : i32
      %lt3A_244 = arith.constant 200 : i32
      %lt3A_245 = arith.cmpi slt, %add3A_243, %lt3A_244 : i32
      %convert_element_type3A_246 = arith.extui %lt3A_245 : i1 to i32
      %cond3A_247 = arith.constant 0 : i32
      %cond3A_248 = arith.cmpi ne, %convert_element_type3A_246, %cond3A_247 : i32
      scf.if %cond3A_248 {
        %ge3A = arith.constant 8 : i32
        %ge3A_352 = arith.cmpi sge, %add3A_243, %ge3A : i32
        %convert_element_type3A_353 = arith.extui %ge3A_352 : i1 to i32
        %cond3A_354 = arith.constant 0 : i32
        %cond3A_355 = arith.cmpi ne, %convert_element_type3A_353, %cond3A_354 : i32
        scf.if %cond3A_355 {
          %add3A_364 = arith.constant 0 : i32
          %add3A_365 = arith.addi %add3A_4, %add3A_364 : i32
          %dma_wait3A_366 = arith.constant 0 : i32
          %dma_wait3A_367 = tpu.memref_slice %arg5[%add3A_365, %dma_wait3A_366] : memref<819200x64xf32, #tpu.memory_space<hbm>> -> memref<128x64xf32, #tpu.memory_space<hbm>>
          %dma_wait3A_368 = arith.constant 0 : i32
          %dma_wait3A_369 = tpu.memref_slice %arg5[%add3A_365, %dma_wait3A_368] : memref<819200x64xf32, #tpu.memory_space<hbm>> -> memref<128x64xf32, #tpu.memory_space<hbm>>
          tpu.wait_dma2 semaphore(%arg33 : memref<!tpu.dma_semaphore, #tpu.memory_space<semaphore_mem>>) src(%arg9 : memref<128x64xf32, #tpu.memory_space<vmem>>) dst(%dma_wait3A_369 : memref<128x64xf32, #tpu.memory_space<hbm>>)
        } else {
        }
        %mul3A_356 = arith.constant 128 : i32
        %mul3A_357 = arith.muli %add3A_243, %mul3A_356 : i32
        %rem3A_358 = arith.constant 200 : i32
        %rem3A_359 = arith.remsi %mul3A_357, %rem3A_358 : i32
        %dma_start3A_360 = arith.constant 0 : i32
        %dma_start3A_361 = tpu.memref_slice %arg6[%rem3A_359, %dma_start3A_360] : memref<400x64xf32, #tpu.memory_space<vmem_shared>> -> memref<128x64xf32, #tpu.memory_space<vmem_shared>>
        %dma_start3A_362 = arith.constant 0 : i32
        %dma_start3A_363 = tpu.memref_slice %arg6[%rem3A_359, %dma_start3A_362] : memref<400x64xf32, #tpu.memory_space<vmem_shared>> -> memref<128x64xf32, #tpu.memory_space<vmem_shared>>
        tpu.enqueue_dma source(%dma_start3A_363 : memref<128x64xf32, #tpu.memory_space<vmem_shared>>) target(%arg9 : memref<128x64xf32, #tpu.memory_space<vmem>>) target_semaphore(%arg17 : memref<!tpu.dma_semaphore, #tpu.memory_space<semaphore_mem>>)
      } else {
      }
      %add3A_249 = arith.constant 3 : i32
      %add3A_250 = arith.addi %add3A_241, %add3A_249 : i32
      %lt3A_251 = arith.constant 200 : i32
      %lt3A_252 = arith.cmpi slt, %add3A_250, %lt3A_251 : i32
      %convert_element_type3A_253 = arith.extui %lt3A_252 : i1 to i32
      %cond3A_254 = arith.constant 0 : i32
      %cond3A_255 = arith.cmpi ne, %convert_element_type3A_253, %cond3A_254 : i32
      scf.if %cond3A_255 {
        %dma_wait3A_352 = arith.constant 0 : i32
        %dma_wait3A_353 = arith.constant 0 : i32
        %dma_wait3A_354 = tpu.memref_slice %arg6[%dma_wait3A_352, %dma_wait3A_353] : memref<400x64xf32, #tpu.memory_space<vmem_shared>> -> memref<128x64xf32, #tpu.memory_space<vmem_shared>>
        %dma_wait3A_355 = arith.constant 0 : i32
        %dma_wait3A_356 = arith.constant 0 : i32
        %dma_wait3A_357 = tpu.memref_slice %arg6[%dma_wait3A_355, %dma_wait3A_356] : memref<400x64xf32, #tpu.memory_space<vmem_shared>> -> memref<128x64xf32, #tpu.memory_space<vmem_shared>>
        tpu.wait_dma2 semaphore(%arg23 : memref<!tpu.dma_semaphore, #tpu.memory_space<semaphore_mem>>) src(%dma_wait3A_357 : memref<128x64xf32, #tpu.memory_space<vmem_shared>>) dst(%arg15 : memref<128x64xf32, #tpu.memory_space<vmem>>)
        %mul3A_358 = arith.constant 128 : i32
        %mul3A_359 = arith.muli %add3A_250, %mul3A_358 : i32
        %dma_start3A_360 = tpu.memref_slice %arg7[%mul3A_359] : memref<25600xi32, #tpu.memory_space<vmem>> -> memref<128xi32, #tpu.memory_space<vmem>>
        %dma_start3A_361 = arith.constant 0 : i32
        %dma_start3A_362 = arith.constant 0 : i32
        %dma_start3A_363 = tpu.memref_slice %arg3[%dma_start3A_361, %dma_start3A_362] : memref<100000x64xf32, #tpu.memory_space<hbm>> -> memref<100000x64xf32, #tpu.memory_space<hbm>>
        tpu.enqueue_indirect_dma source(%dma_start3A_363 : memref<100000x64xf32, #tpu.memory_space<hbm>>) target(%arg15 : memref<128x64xf32, #tpu.memory_space<vmem>>) offsets(%dma_start3A_360 : memref<128xi32, #tpu.memory_space<vmem>>) semaphore(%arg31 : memref<!tpu.dma_semaphore, #tpu.memory_space<semaphore_mem>>) {add = true}
      } else {
      }
      %dma_wait3A_256 = arith.constant 0 : i32
      %dma_wait3A_257 = tpu.memref_slice %arg7[%dma_wait3A_256] : memref<25600xi32, #tpu.memory_space<vmem>> -> memref<128xi32, #tpu.memory_space<vmem>>
      %dma_wait3A_258 = arith.constant 0 : i32
      %dma_wait3A_259 = arith.constant 0 : i32
      %dma_wait3A_260 = tpu.memref_slice %arg3[%dma_wait3A_258, %dma_wait3A_259] : memref<100000x64xf32, #tpu.memory_space<hbm>> -> memref<100000x64xf32, #tpu.memory_space<hbm>>
      tpu.wait_indirect_dma semaphore(%arg28 : memref<!tpu.dma_semaphore, #tpu.memory_space<semaphore_mem>>) src(%dma_wait3A_260 : memref<100000x64xf32, #tpu.memory_space<hbm>>) dst(%arg12 : memref<128x64xf32, #tpu.memory_space<vmem>>)
      %mul3A_261 = arith.constant 128 : i32
      %mul3A_262 = arith.muli %add3A_241, %mul3A_261 : i32
      %add3A_263 = arith.addi %add3A_4, %mul3A_262 : i32
      %dma_start3A_264 = arith.constant 0 : i32
      %dma_start3A_265 = tpu.memref_slice %arg5[%add3A_263, %dma_start3A_264] : memref<819200x64xf32, #tpu.memory_space<hbm>> -> memref<128x64xf32, #tpu.memory_space<hbm>>
      %dma_start3A_266 = arith.constant 0 : i32
      %dma_start3A_267 = tpu.memref_slice %arg5[%add3A_263, %dma_start3A_266] : memref<819200x64xf32, #tpu.memory_space<hbm>> -> memref<128x64xf32, #tpu.memory_space<hbm>>
      tpu.enqueue_dma source(%arg12 : memref<128x64xf32, #tpu.memory_space<vmem>>) target(%dma_start3A_267 : memref<128x64xf32, #tpu.memory_space<hbm>>) target_semaphore(%arg36 : memref<!tpu.dma_semaphore, #tpu.memory_space<semaphore_mem>>)
      %add3A_268 = arith.constant 5 : i32
      %add3A_269 = arith.addi %add3A_128, %add3A_268 : i32
      %add3A_270 = arith.constant 5 : i32
      %add3A_271 = arith.addi %add3A_269, %add3A_270 : i32
      %lt3A_272 = arith.constant 200 : i32
      %lt3A_273 = arith.cmpi slt, %add3A_271, %lt3A_272 : i32
      %convert_element_type3A_274 = arith.extui %lt3A_273 : i1 to i32
      %cond3A_275 = arith.constant 0 : i32
      %cond3A_276 = arith.cmpi ne, %convert_element_type3A_274, %cond3A_275 : i32
      scf.if %cond3A_276 {
        %ge3A = arith.constant 8 : i32
        %ge3A_352 = arith.cmpi sge, %add3A_271, %ge3A : i32
        %convert_element_type3A_353 = arith.extui %ge3A_352 : i1 to i32
        %cond3A_354 = arith.constant 0 : i32
        %cond3A_355 = arith.cmpi ne, %convert_element_type3A_353, %cond3A_354 : i32
        scf.if %cond3A_355 {
          %add3A_364 = arith.constant 0 : i32
          %add3A_365 = arith.addi %add3A_4, %add3A_364 : i32
          %dma_wait3A_366 = arith.constant 0 : i32
          %dma_wait3A_367 = tpu.memref_slice %arg5[%add3A_365, %dma_wait3A_366] : memref<819200x64xf32, #tpu.memory_space<hbm>> -> memref<128x64xf32, #tpu.memory_space<hbm>>
          %dma_wait3A_368 = arith.constant 0 : i32
          %dma_wait3A_369 = tpu.memref_slice %arg5[%add3A_365, %dma_wait3A_368] : memref<819200x64xf32, #tpu.memory_space<hbm>> -> memref<128x64xf32, #tpu.memory_space<hbm>>
          tpu.wait_dma2 semaphore(%arg34 : memref<!tpu.dma_semaphore, #tpu.memory_space<semaphore_mem>>) src(%arg10 : memref<128x64xf32, #tpu.memory_space<vmem>>) dst(%dma_wait3A_369 : memref<128x64xf32, #tpu.memory_space<hbm>>)
        } else {
        }
        %mul3A_356 = arith.constant 128 : i32
        %mul3A_357 = arith.muli %add3A_271, %mul3A_356 : i32
        %rem3A_358 = arith.constant 200 : i32
        %rem3A_359 = arith.remsi %mul3A_357, %rem3A_358 : i32
        %dma_start3A_360 = arith.constant 0 : i32
        %dma_start3A_361 = tpu.memref_slice %arg6[%rem3A_359, %dma_start3A_360] : memref<400x64xf32, #tpu.memory_space<vmem_shared>> -> memref<128x64xf32, #tpu.memory_space<vmem_shared>>
        %dma_start3A_362 = arith.constant 0 : i32
        %dma_start3A_363 = tpu.memref_slice %arg6[%rem3A_359, %dma_start3A_362] : memref<400x64xf32, #tpu.memory_space<vmem_shared>> -> memref<128x64xf32, #tpu.memory_space<vmem_shared>>
        tpu.enqueue_dma source(%dma_start3A_363 : memref<128x64xf32, #tpu.memory_space<vmem_shared>>) target(%arg10 : memref<128x64xf32, #tpu.memory_space<vmem>>) target_semaphore(%arg18 : memref<!tpu.dma_semaphore, #tpu.memory_space<semaphore_mem>>)
      } else {
      }
      %add3A_277 = arith.constant 3 : i32
      %add3A_278 = arith.addi %add3A_269, %add3A_277 : i32
      %lt3A_279 = arith.constant 200 : i32
      %lt3A_280 = arith.cmpi slt, %add3A_278, %lt3A_279 : i32
      %convert_element_type3A_281 = arith.extui %lt3A_280 : i1 to i32
      %cond3A_282 = arith.constant 0 : i32
      %cond3A_283 = arith.cmpi ne, %convert_element_type3A_281, %cond3A_282 : i32
      scf.if %cond3A_283 {
        %dma_wait3A_352 = arith.constant 0 : i32
        %dma_wait3A_353 = arith.constant 0 : i32
        %dma_wait3A_354 = tpu.memref_slice %arg6[%dma_wait3A_352, %dma_wait3A_353] : memref<400x64xf32, #tpu.memory_space<vmem_shared>> -> memref<128x64xf32, #tpu.memory_space<vmem_shared>>
        %dma_wait3A_355 = arith.constant 0 : i32
        %dma_wait3A_356 = arith.constant 0 : i32
        %dma_wait3A_357 = tpu.memref_slice %arg6[%dma_wait3A_355, %dma_wait3A_356] : memref<400x64xf32, #tpu.memory_space<vmem_shared>> -> memref<128x64xf32, #tpu.memory_space<vmem_shared>>
        tpu.wait_dma2 semaphore(%arg16 : memref<!tpu.dma_semaphore, #tpu.memory_space<semaphore_mem>>) src(%dma_wait3A_357 : memref<128x64xf32, #tpu.memory_space<vmem_shared>>) dst(%arg8 : memref<128x64xf32, #tpu.memory_space<vmem>>)
        %mul3A_358 = arith.constant 128 : i32
        %mul3A_359 = arith.muli %add3A_278, %mul3A_358 : i32
        %dma_start3A_360 = tpu.memref_slice %arg7[%mul3A_359] : memref<25600xi32, #tpu.memory_space<vmem>> -> memref<128xi32, #tpu.memory_space<vmem>>
        %dma_start3A_361 = arith.constant 0 : i32
        %dma_start3A_362 = arith.constant 0 : i32
        %dma_start3A_363 = tpu.memref_slice %arg3[%dma_start3A_361, %dma_start3A_362] : memref<100000x64xf32, #tpu.memory_space<hbm>> -> memref<100000x64xf32, #tpu.memory_space<hbm>>
        tpu.enqueue_indirect_dma source(%dma_start3A_363 : memref<100000x64xf32, #tpu.memory_space<hbm>>) target(%arg8 : memref<128x64xf32, #tpu.memory_space<vmem>>) offsets(%dma_start3A_360 : memref<128xi32, #tpu.memory_space<vmem>>) semaphore(%arg24 : memref<!tpu.dma_semaphore, #tpu.memory_space<semaphore_mem>>) {add = true}
      } else {
      }
      %dma_wait3A_284 = arith.constant 0 : i32
      %dma_wait3A_285 = tpu.memref_slice %arg7[%dma_wait3A_284] : memref<25600xi32, #tpu.memory_space<vmem>> -> memref<128xi32, #tpu.memory_space<vmem>>
      %dma_wait3A_286 = arith.constant 0 : i32
      %dma_wait3A_287 = arith.constant 0 : i32
      %dma_wait3A_288 = tpu.memref_slice %arg3[%dma_wait3A_286, %dma_wait3A_287] : memref<100000x64xf32, #tpu.memory_space<hbm>> -> memref<100000x64xf32, #tpu.memory_space<hbm>>
      tpu.wait_indirect_dma semaphore(%arg29 : memref<!tpu.dma_semaphore, #tpu.memory_space<semaphore_mem>>) src(%dma_wait3A_288 : memref<100000x64xf32, #tpu.memory_space<hbm>>) dst(%arg13 : memref<128x64xf32, #tpu.memory_space<vmem>>)
      %mul3A_289 = arith.constant 128 : i32
      %mul3A_290 = arith.muli %add3A_269, %mul3A_289 : i32
      %add3A_291 = arith.addi %add3A_4, %mul3A_290 : i32
      %dma_start3A_292 = arith.constant 0 : i32
      %dma_start3A_293 = tpu.memref_slice %arg5[%add3A_291, %dma_start3A_292] : memref<819200x64xf32, #tpu.memory_space<hbm>> -> memref<128x64xf32, #tpu.memory_space<hbm>>
      %dma_start3A_294 = arith.constant 0 : i32
      %dma_start3A_295 = tpu.memref_slice %arg5[%add3A_291, %dma_start3A_294] : memref<819200x64xf32, #tpu.memory_space<hbm>> -> memref<128x64xf32, #tpu.memory_space<hbm>>
      tpu.enqueue_dma source(%arg13 : memref<128x64xf32, #tpu.memory_space<vmem>>) target(%dma_start3A_295 : memref<128x64xf32, #tpu.memory_space<hbm>>) target_semaphore(%arg37 : memref<!tpu.dma_semaphore, #tpu.memory_space<semaphore_mem>>)
      %add3A_296 = arith.constant 6 : i32
      %add3A_297 = arith.addi %add3A_128, %add3A_296 : i32
      %add3A_298 = arith.constant 5 : i32
      %add3A_299 = arith.addi %add3A_297, %add3A_298 : i32
      %lt3A_300 = arith.constant 200 : i32
      %lt3A_301 = arith.cmpi slt, %add3A_299, %lt3A_300 : i32
      %convert_element_type3A_302 = arith.extui %lt3A_301 : i1 to i32
      %cond3A_303 = arith.constant 0 : i32
      %cond3A_304 = arith.cmpi ne, %convert_element_type3A_302, %cond3A_303 : i32
      scf.if %cond3A_304 {
        %ge3A = arith.constant 8 : i32
        %ge3A_352 = arith.cmpi sge, %add3A_299, %ge3A : i32
        %convert_element_type3A_353 = arith.extui %ge3A_352 : i1 to i32
        %cond3A_354 = arith.constant 0 : i32
        %cond3A_355 = arith.cmpi ne, %convert_element_type3A_353, %cond3A_354 : i32
        scf.if %cond3A_355 {
          %add3A_364 = arith.constant 0 : i32
          %add3A_365 = arith.addi %add3A_4, %add3A_364 : i32
          %dma_wait3A_366 = arith.constant 0 : i32
          %dma_wait3A_367 = tpu.memref_slice %arg5[%add3A_365, %dma_wait3A_366] : memref<819200x64xf32, #tpu.memory_space<hbm>> -> memref<128x64xf32, #tpu.memory_space<hbm>>
          %dma_wait3A_368 = arith.constant 0 : i32
          %dma_wait3A_369 = tpu.memref_slice %arg5[%add3A_365, %dma_wait3A_368] : memref<819200x64xf32, #tpu.memory_space<hbm>> -> memref<128x64xf32, #tpu.memory_space<hbm>>
          tpu.wait_dma2 semaphore(%arg35 : memref<!tpu.dma_semaphore, #tpu.memory_space<semaphore_mem>>) src(%arg11 : memref<128x64xf32, #tpu.memory_space<vmem>>) dst(%dma_wait3A_369 : memref<128x64xf32, #tpu.memory_space<hbm>>)
        } else {
        }
        %mul3A_356 = arith.constant 128 : i32
        %mul3A_357 = arith.muli %add3A_299, %mul3A_356 : i32
        %rem3A_358 = arith.constant 200 : i32
        %rem3A_359 = arith.remsi %mul3A_357, %rem3A_358 : i32
        %dma_start3A_360 = arith.constant 0 : i32
        %dma_start3A_361 = tpu.memref_slice %arg6[%rem3A_359, %dma_start3A_360] : memref<400x64xf32, #tpu.memory_space<vmem_shared>> -> memref<128x64xf32, #tpu.memory_space<vmem_shared>>
        %dma_start3A_362 = arith.constant 0 : i32
        %dma_start3A_363 = tpu.memref_slice %arg6[%rem3A_359, %dma_start3A_362] : memref<400x64xf32, #tpu.memory_space<vmem_shared>> -> memref<128x64xf32, #tpu.memory_space<vmem_shared>>
        tpu.enqueue_dma source(%dma_start3A_363 : memref<128x64xf32, #tpu.memory_space<vmem_shared>>) target(%arg11 : memref<128x64xf32, #tpu.memory_space<vmem>>) target_semaphore(%arg19 : memref<!tpu.dma_semaphore, #tpu.memory_space<semaphore_mem>>)
      } else {
      }
      %add3A_305 = arith.constant 3 : i32
      %add3A_306 = arith.addi %add3A_297, %add3A_305 : i32
      %lt3A_307 = arith.constant 200 : i32
      %lt3A_308 = arith.cmpi slt, %add3A_306, %lt3A_307 : i32
      %convert_element_type3A_309 = arith.extui %lt3A_308 : i1 to i32
      %cond3A_310 = arith.constant 0 : i32
      %cond3A_311 = arith.cmpi ne, %convert_element_type3A_309, %cond3A_310 : i32
      scf.if %cond3A_311 {
        %dma_wait3A_352 = arith.constant 0 : i32
        %dma_wait3A_353 = arith.constant 0 : i32
        %dma_wait3A_354 = tpu.memref_slice %arg6[%dma_wait3A_352, %dma_wait3A_353] : memref<400x64xf32, #tpu.memory_space<vmem_shared>> -> memref<128x64xf32, #tpu.memory_space<vmem_shared>>
        %dma_wait3A_355 = arith.constant 0 : i32
        %dma_wait3A_356 = arith.constant 0 : i32
        %dma_wait3A_357 = tpu.memref_slice %arg6[%dma_wait3A_355, %dma_wait3A_356] : memref<400x64xf32, #tpu.memory_space<vmem_shared>> -> memref<128x64xf32, #tpu.memory_space<vmem_shared>>
        tpu.wait_dma2 semaphore(%arg17 : memref<!tpu.dma_semaphore, #tpu.memory_space<semaphore_mem>>) src(%dma_wait3A_357 : memref<128x64xf32, #tpu.memory_space<vmem_shared>>) dst(%arg9 : memref<128x64xf32, #tpu.memory_space<vmem>>)
        %mul3A_358 = arith.constant 128 : i32
        %mul3A_359 = arith.muli %add3A_306, %mul3A_358 : i32
        %dma_start3A_360 = tpu.memref_slice %arg7[%mul3A_359] : memref<25600xi32, #tpu.memory_space<vmem>> -> memref<128xi32, #tpu.memory_space<vmem>>
        %dma_start3A_361 = arith.constant 0 : i32
        %dma_start3A_362 = arith.constant 0 : i32
        %dma_start3A_363 = tpu.memref_slice %arg3[%dma_start3A_361, %dma_start3A_362] : memref<100000x64xf32, #tpu.memory_space<hbm>> -> memref<100000x64xf32, #tpu.memory_space<hbm>>
        tpu.enqueue_indirect_dma source(%dma_start3A_363 : memref<100000x64xf32, #tpu.memory_space<hbm>>) target(%arg9 : memref<128x64xf32, #tpu.memory_space<vmem>>) offsets(%dma_start3A_360 : memref<128xi32, #tpu.memory_space<vmem>>) semaphore(%arg25 : memref<!tpu.dma_semaphore, #tpu.memory_space<semaphore_mem>>) {add = true}
      } else {
      }
      %dma_wait3A_312 = arith.constant 0 : i32
      %dma_wait3A_313 = tpu.memref_slice %arg7[%dma_wait3A_312] : memref<25600xi32, #tpu.memory_space<vmem>> -> memref<128xi32, #tpu.memory_space<vmem>>
      %dma_wait3A_314 = arith.constant 0 : i32
      %dma_wait3A_315 = arith.constant 0 : i32
      %dma_wait3A_316 = tpu.memref_slice %arg3[%dma_wait3A_314, %dma_wait3A_315] : memref<100000x64xf32, #tpu.memory_space<hbm>> -> memref<100000x64xf32, #tpu.memory_space<hbm>>
      tpu.wait_indirect_dma semaphore(%arg30 : memref<!tpu.dma_semaphore, #tpu.memory_space<semaphore_mem>>) src(%dma_wait3A_316 : memref<100000x64xf32, #tpu.memory_space<hbm>>) dst(%arg14 : memref<128x64xf32, #tpu.memory_space<vmem>>)
      %mul3A_317 = arith.constant 128 : i32
      %mul3A_318 = arith.muli %add3A_297, %mul3A_317 : i32
      %add3A_319 = arith.addi %add3A_4, %mul3A_318 : i32
      %dma_start3A_320 = arith.constant 0 : i32
      %dma_start3A_321 = tpu.memref_slice %arg5[%add3A_319, %dma_start3A_320] : memref<819200x64xf32, #tpu.memory_space<hbm>> -> memref<128x64xf32, #tpu.memory_space<hbm>>
      %dma_start3A_322 = arith.constant 0 : i32
      %dma_start3A_323 = tpu.memref_slice %arg5[%add3A_319, %dma_start3A_322] : memref<819200x64xf32, #tpu.memory_space<hbm>> -> memref<128x64xf32, #tpu.memory_space<hbm>>
      tpu.enqueue_dma source(%arg14 : memref<128x64xf32, #tpu.memory_space<vmem>>) target(%dma_start3A_323 : memref<128x64xf32, #tpu.memory_space<hbm>>) target_semaphore(%arg38 : memref<!tpu.dma_semaphore, #tpu.memory_space<semaphore_mem>>)
      %add3A_324 = arith.constant 7 : i32
      %add3A_325 = arith.addi %add3A_128, %add3A_324 : i32
      %add3A_326 = arith.constant 5 : i32
      %add3A_327 = arith.addi %add3A_325, %add3A_326 : i32
      %lt3A_328 = arith.constant 200 : i32
      %lt3A_329 = arith.cmpi slt, %add3A_327, %lt3A_328 : i32
      %convert_element_type3A_330 = arith.extui %lt3A_329 : i1 to i32
      %cond3A_331 = arith.constant 0 : i32
      %cond3A_332 = arith.cmpi ne, %convert_element_type3A_330, %cond3A_331 : i32
      scf.if %cond3A_332 {
        %ge3A = arith.constant 8 : i32
        %ge3A_352 = arith.cmpi sge, %add3A_327, %ge3A : i32
        %convert_element_type3A_353 = arith.extui %ge3A_352 : i1 to i32
        %cond3A_354 = arith.constant 0 : i32
        %cond3A_355 = arith.cmpi ne, %convert_element_type3A_353, %cond3A_354 : i32
        scf.if %cond3A_355 {
          %add3A_364 = arith.constant 0 : i32
          %add3A_365 = arith.addi %add3A_4, %add3A_364 : i32
          %dma_wait3A_366 = arith.constant 0 : i32
          %dma_wait3A_367 = tpu.memref_slice %arg5[%add3A_365, %dma_wait3A_366] : memref<819200x64xf32, #tpu.memory_space<hbm>> -> memref<128x64xf32, #tpu.memory_space<hbm>>
          %dma_wait3A_368 = arith.constant 0 : i32
          %dma_wait3A_369 = tpu.memref_slice %arg5[%add3A_365, %dma_wait3A_368] : memref<819200x64xf32, #tpu.memory_space<hbm>> -> memref<128x64xf32, #tpu.memory_space<hbm>>
          tpu.wait_dma2 semaphore(%arg36 : memref<!tpu.dma_semaphore, #tpu.memory_space<semaphore_mem>>) src(%arg12 : memref<128x64xf32, #tpu.memory_space<vmem>>) dst(%dma_wait3A_369 : memref<128x64xf32, #tpu.memory_space<hbm>>)
        } else {
        }
        %mul3A_356 = arith.constant 128 : i32
        %mul3A_357 = arith.muli %add3A_327, %mul3A_356 : i32
        %rem3A_358 = arith.constant 200 : i32
        %rem3A_359 = arith.remsi %mul3A_357, %rem3A_358 : i32
        %dma_start3A_360 = arith.constant 0 : i32
        %dma_start3A_361 = tpu.memref_slice %arg6[%rem3A_359, %dma_start3A_360] : memref<400x64xf32, #tpu.memory_space<vmem_shared>> -> memref<128x64xf32, #tpu.memory_space<vmem_shared>>
        %dma_start3A_362 = arith.constant 0 : i32
        %dma_start3A_363 = tpu.memref_slice %arg6[%rem3A_359, %dma_start3A_362] : memref<400x64xf32, #tpu.memory_space<vmem_shared>> -> memref<128x64xf32, #tpu.memory_space<vmem_shared>>
        tpu.enqueue_dma source(%dma_start3A_363 : memref<128x64xf32, #tpu.memory_space<vmem_shared>>) target(%arg12 : memref<128x64xf32, #tpu.memory_space<vmem>>) target_semaphore(%arg20 : memref<!tpu.dma_semaphore, #tpu.memory_space<semaphore_mem>>)
      } else {
      }
      %add3A_333 = arith.constant 3 : i32
      %add3A_334 = arith.addi %add3A_325, %add3A_333 : i32
      %lt3A_335 = arith.constant 200 : i32
      %lt3A_336 = arith.cmpi slt, %add3A_334, %lt3A_335 : i32
      %convert_element_type3A_337 = arith.extui %lt3A_336 : i1 to i32
      %cond3A_338 = arith.constant 0 : i32
      %cond3A_339 = arith.cmpi ne, %convert_element_type3A_337, %cond3A_338 : i32
      scf.if %cond3A_339 {
        %dma_wait3A_352 = arith.constant 0 : i32
        %dma_wait3A_353 = arith.constant 0 : i32
        %dma_wait3A_354 = tpu.memref_slice %arg6[%dma_wait3A_352, %dma_wait3A_353] : memref<400x64xf32, #tpu.memory_space<vmem_shared>> -> memref<128x64xf32, #tpu.memory_space<vmem_shared>>
        %dma_wait3A_355 = arith.constant 0 : i32
        %dma_wait3A_356 = arith.constant 0 : i32
        %dma_wait3A_357 = tpu.memref_slice %arg6[%dma_wait3A_355, %dma_wait3A_356] : memref<400x64xf32, #tpu.memory_space<vmem_shared>> -> memref<128x64xf32, #tpu.memory_space<vmem_shared>>
        tpu.wait_dma2 semaphore(%arg18 : memref<!tpu.dma_semaphore, #tpu.memory_space<semaphore_mem>>) src(%dma_wait3A_357 : memref<128x64xf32, #tpu.memory_space<vmem_shared>>) dst(%arg10 : memref<128x64xf32, #tpu.memory_space<vmem>>)
        %mul3A_358 = arith.constant 128 : i32
        %mul3A_359 = arith.muli %add3A_334, %mul3A_358 : i32
        %dma_start3A_360 = tpu.memref_slice %arg7[%mul3A_359] : memref<25600xi32, #tpu.memory_space<vmem>> -> memref<128xi32, #tpu.memory_space<vmem>>
        %dma_start3A_361 = arith.constant 0 : i32
        %dma_start3A_362 = arith.constant 0 : i32
        %dma_start3A_363 = tpu.memref_slice %arg3[%dma_start3A_361, %dma_start3A_362] : memref<100000x64xf32, #tpu.memory_space<hbm>> -> memref<100000x64xf32, #tpu.memory_space<hbm>>
        tpu.enqueue_indirect_dma source(%dma_start3A_363 : memref<100000x64xf32, #tpu.memory_space<hbm>>) target(%arg10 : memref<128x64xf32, #tpu.memory_space<vmem>>) offsets(%dma_start3A_360 : memref<128xi32, #tpu.memory_space<vmem>>) semaphore(%arg26 : memref<!tpu.dma_semaphore, #tpu.memory_space<semaphore_mem>>) {add = true}
      } else {
      }
      %dma_wait3A_340 = arith.constant 0 : i32
      %dma_wait3A_341 = tpu.memref_slice %arg7[%dma_wait3A_340] : memref<25600xi32, #tpu.memory_space<vmem>> -> memref<128xi32, #tpu.memory_space<vmem>>
      %dma_wait3A_342 = arith.constant 0 : i32
      %dma_wait3A_343 = arith.constant 0 : i32
      %dma_wait3A_344 = tpu.memref_slice %arg3[%dma_wait3A_342, %dma_wait3A_343] : memref<100000x64xf32, #tpu.memory_space<hbm>> -> memref<100000x64xf32, #tpu.memory_space<hbm>>
      tpu.wait_indirect_dma semaphore(%arg31 : memref<!tpu.dma_semaphore, #tpu.memory_space<semaphore_mem>>) src(%dma_wait3A_344 : memref<100000x64xf32, #tpu.memory_space<hbm>>) dst(%arg15 : memref<128x64xf32, #tpu.memory_space<vmem>>)
      %mul3A_345 = arith.constant 128 : i32
      %mul3A_346 = arith.muli %add3A_325, %mul3A_345 : i32
      %add3A_347 = arith.addi %add3A_4, %mul3A_346 : i32
      %dma_start3A_348 = arith.constant 0 : i32
      %dma_start3A_349 = tpu.memref_slice %arg5[%add3A_347, %dma_start3A_348] : memref<819200x64xf32, #tpu.memory_space<hbm>> -> memref<128x64xf32, #tpu.memory_space<hbm>>
      %dma_start3A_350 = arith.constant 0 : i32
      %dma_start3A_351 = tpu.memref_slice %arg5[%add3A_347, %dma_start3A_350] : memref<819200x64xf32, #tpu.memory_space<hbm>> -> memref<128x64xf32, #tpu.memory_space<hbm>>
      tpu.enqueue_dma source(%arg15 : memref<128x64xf32, #tpu.memory_space<vmem>>) target(%dma_start3A_351 : memref<128x64xf32, #tpu.memory_space<hbm>>) target_semaphore(%arg39 : memref<!tpu.dma_semaphore, #tpu.memory_space<semaphore_mem>>)
    }
    %scan3A_75 = arith.constant 25 : i32
    %add3A_76 = arith.constant 0 : i32
    %add3A_77 = arith.addi %add3A_4, %add3A_76 : i32
    %dma_wait3A_78 = arith.constant 0 : i32
    %dma_wait3A_79 = tpu.memref_slice %arg5[%add3A_77, %dma_wait3A_78] : memref<819200x64xf32, #tpu.memory_space<hbm>> -> memref<128x64xf32, #tpu.memory_space<hbm>>
    %dma_wait3A_80 = arith.constant 0 : i32
    %dma_wait3A_81 = tpu.memref_slice %arg5[%add3A_77, %dma_wait3A_80] : memref<819200x64xf32, #tpu.memory_space<hbm>> -> memref<128x64xf32, #tpu.memory_space<hbm>>
    tpu.wait_dma2 semaphore(%arg32 : memref<!tpu.dma_semaphore, #tpu.memory_space<semaphore_mem>>) src(%arg8 : memref<128x64xf32, #tpu.memory_space<vmem>>) dst(%dma_wait3A_81 : memref<128x64xf32, #tpu.memory_space<hbm>>)
    %add3A_82 = arith.constant 0 : i32
    %add3A_83 = arith.addi %add3A_4, %add3A_82 : i32
    %dma_wait3A_84 = arith.constant 0 : i32
    %dma_wait3A_85 = tpu.memref_slice %arg5[%add3A_83, %dma_wait3A_84] : memref<819200x64xf32, #tpu.memory_space<hbm>> -> memref<128x64xf32, #tpu.memory_space<hbm>>
    %dma_wait3A_86 = arith.constant 0 : i32
    %dma_wait3A_87 = tpu.memref_slice %arg5[%add3A_83, %dma_wait3A_86] : memref<819200x64xf32, #tpu.memory_space<hbm>> -> memref<128x64xf32, #tpu.memory_space<hbm>>
    tpu.wait_dma2 semaphore(%arg33 : memref<!tpu.dma_semaphore, #tpu.memory_space<semaphore_mem>>) src(%arg9 : memref<128x64xf32, #tpu.memory_space<vmem>>) dst(%dma_wait3A_87 : memref<128x64xf32, #tpu.memory_space<hbm>>)
    %add3A_88 = arith.constant 0 : i32
    %add3A_89 = arith.addi %add3A_4, %add3A_88 : i32
    %dma_wait3A_90 = arith.constant 0 : i32
    %dma_wait3A_91 = tpu.memref_slice %arg5[%add3A_89, %dma_wait3A_90] : memref<819200x64xf32, #tpu.memory_space<hbm>> -> memref<128x64xf32, #tpu.memory_space<hbm>>
    %dma_wait3A_92 = arith.constant 0 : i32
    %dma_wait3A_93 = tpu.memref_slice %arg5[%add3A_89, %dma_wait3A_92] : memref<819200x64xf32, #tpu.memory_space<hbm>> -> memref<128x64xf32, #tpu.memory_space<hbm>>
    tpu.wait_dma2 semaphore(%arg34 : memref<!tpu.dma_semaphore, #tpu.memory_space<semaphore_mem>>) src(%arg10 : memref<128x64xf32, #tpu.memory_space<vmem>>) dst(%dma_wait3A_93 : memref<128x64xf32, #tpu.memory_space<hbm>>)
    %add3A_94 = arith.constant 0 : i32
    %add3A_95 = arith.addi %add3A_4, %add3A_94 : i32
    %dma_wait3A_96 = arith.constant 0 : i32
    %dma_wait3A_97 = tpu.memref_slice %arg5[%add3A_95, %dma_wait3A_96] : memref<819200x64xf32, #tpu.memory_space<hbm>> -> memref<128x64xf32, #tpu.memory_space<hbm>>
    %dma_wait3A_98 = arith.constant 0 : i32
    %dma_wait3A_99 = tpu.memref_slice %arg5[%add3A_95, %dma_wait3A_98] : memref<819200x64xf32, #tpu.memory_space<hbm>> -> memref<128x64xf32, #tpu.memory_space<hbm>>
    tpu.wait_dma2 semaphore(%arg35 : memref<!tpu.dma_semaphore, #tpu.memory_space<semaphore_mem>>) src(%arg11 : memref<128x64xf32, #tpu.memory_space<vmem>>) dst(%dma_wait3A_99 : memref<128x64xf32, #tpu.memory_space<hbm>>)
    %add3A_100 = arith.constant 0 : i32
    %add3A_101 = arith.addi %add3A_4, %add3A_100 : i32
    %dma_wait3A_102 = arith.constant 0 : i32
    %dma_wait3A_103 = tpu.memref_slice %arg5[%add3A_101, %dma_wait3A_102] : memref<819200x64xf32, #tpu.memory_space<hbm>> -> memref<128x64xf32, #tpu.memory_space<hbm>>
    %dma_wait3A_104 = arith.constant 0 : i32
    %dma_wait3A_105 = tpu.memref_slice %arg5[%add3A_101, %dma_wait3A_104] : memref<819200x64xf32, #tpu.memory_space<hbm>> -> memref<128x64xf32, #tpu.memory_space<hbm>>
    tpu.wait_dma2 semaphore(%arg36 : memref<!tpu.dma_semaphore, #tpu.memory_space<semaphore_mem>>) src(%arg12 : memref<128x64xf32, #tpu.memory_space<vmem>>) dst(%dma_wait3A_105 : memref<128x64xf32, #tpu.memory_space<hbm>>)
    %add3A_106 = arith.constant 0 : i32
    %add3A_107 = arith.addi %add3A_4, %add3A_106 : i32
    %dma_wait3A_108 = arith.constant 0 : i32
    %dma_wait3A_109 = tpu.memref_slice %arg5[%add3A_107, %dma_wait3A_108] : memref<819200x64xf32, #tpu.memory_space<hbm>> -> memref<128x64xf32, #tpu.memory_space<hbm>>
    %dma_wait3A_110 = arith.constant 0 : i32
    %dma_wait3A_111 = tpu.memref_slice %arg5[%add3A_107, %dma_wait3A_110] : memref<819200x64xf32, #tpu.memory_space<hbm>> -> memref<128x64xf32, #tpu.memory_space<hbm>>
    tpu.wait_dma2 semaphore(%arg37 : memref<!tpu.dma_semaphore, #tpu.memory_space<semaphore_mem>>) src(%arg13 : memref<128x64xf32, #tpu.memory_space<vmem>>) dst(%dma_wait3A_111 : memref<128x64xf32, #tpu.memory_space<hbm>>)
    %add3A_112 = arith.constant 0 : i32
    %add3A_113 = arith.addi %add3A_4, %add3A_112 : i32
    %dma_wait3A_114 = arith.constant 0 : i32
    %dma_wait3A_115 = tpu.memref_slice %arg5[%add3A_113, %dma_wait3A_114] : memref<819200x64xf32, #tpu.memory_space<hbm>> -> memref<128x64xf32, #tpu.memory_space<hbm>>
    %dma_wait3A_116 = arith.constant 0 : i32
    %dma_wait3A_117 = tpu.memref_slice %arg5[%add3A_113, %dma_wait3A_116] : memref<819200x64xf32, #tpu.memory_space<hbm>> -> memref<128x64xf32, #tpu.memory_space<hbm>>
    tpu.wait_dma2 semaphore(%arg38 : memref<!tpu.dma_semaphore, #tpu.memory_space<semaphore_mem>>) src(%arg14 : memref<128x64xf32, #tpu.memory_space<vmem>>) dst(%dma_wait3A_117 : memref<128x64xf32, #tpu.memory_space<hbm>>)
    %add3A_118 = arith.constant 0 : i32
    %add3A_119 = arith.addi %add3A_4, %add3A_118 : i32
    %dma_wait3A_120 = arith.constant 0 : i32
    %dma_wait3A_121 = tpu.memref_slice %arg5[%add3A_119, %dma_wait3A_120] : memref<819200x64xf32, #tpu.memory_space<hbm>> -> memref<128x64xf32, #tpu.memory_space<hbm>>
    %dma_wait3A_122 = arith.constant 0 : i32
    %dma_wait3A_123 = tpu.memref_slice %arg5[%add3A_119, %dma_wait3A_122] : memref<819200x64xf32, #tpu.memory_space<hbm>> -> memref<128x64xf32, #tpu.memory_space<hbm>>
    tpu.wait_dma2 semaphore(%arg39 : memref<!tpu.dma_semaphore, #tpu.memory_space<semaphore_mem>>) src(%arg15 : memref<128x64xf32, #tpu.memory_space<vmem>>) dst(%dma_wait3A_123 : memref<128x64xf32, #tpu.memory_space<hbm>>)
    return
  }
}

</mosaic_0001>

<sc_bundles>
// kernel: kernel.3.cloned.1.call-start
scs
__scs_entry_jumppad:
0x0: {  	(pc) =	sbr.rel $0x88, $3  }
0x1: {  	(tag) =	ssettag $0x0;
	lr =	simm.s32 $0x1  }
0x2: {  	[smem:$0x3F9E] =	sst lr;
	_ =	strace $0xD0000000  }
0x3: {  	_ = 	snop  }
0x4: {  	_ = 	snop  }
0x5: {  	_ = 	snop  }
0x6: {  	_ = 	snop  }
0x7: {  	_ = 	snop  }
__scs_overlays_trampoline_lowered:
0x8: {  	[smem:$0x3FAD] =	sst s0  }
0x9: {  	[smem:$0x3FAE] =	sst s1  }
0xa: {  	[smem:$0x3FAF] =	sst s2  }
0xb: {  	[smem:$0x3FB0] =	sst s3  }
0xc: {  	[smem:$0x3FB1] =	sst s4  }
0xd: {  	[smem:$0x3FB2] =	sst s5  }
0xe: {  	[smem:$0x3FB3] =	sst s6  }
0xf: {  	[smem:$0x3FB4] =	sst s7  }
0x10: {  	[smem:$0x3FB5] =	sst s8  }
0x11: {  	[smem:$0x3FB6] =	sst s9;
	s0 =	simm.s32 @!p0 $0x0  }
0x12: {  	s1 =	sld [smem:$0x3F9C];
	s0 =	simm.s32 @p0 $0x1  }
0x13: {  	[smem:$0x3FB7] =	sst s0;
	s0 =	simm.s32 @!p1 $0x0  }
0x14: {  	s2 =	sld [smem:$0x3F9B];
	s0 =	simm.s32 @p1 $0x1  }
0x15: {  	[smem:$0x3FB8] =	sst s0;
	s0 =	simm.s32 @!p2 $0x0  }
0x16: {  	s3 =	sld [smem:$0x3FDB];
	s0 =	simm.s32 @p2 $0x1  }
0x17: {  	s4 =	simm.s32 $0x1BF5;
	[smem:$0x3FBA] =	sst s0  }
0x18: {  	s0 =	sld [smem:$0x3F9D];
	_ =	swait.ge [sflag:s4], $0x0  }
0x19: {  	s7 =	sld [smem:$0x3F9E]  }
0x1a: {  	s8 =	sadd.s32 $0xFFFFE003, lr  }
0x1b: {  	s9 =	sadd.s32 $0xFFFFFEF7, lr;
	s5 =	simm.s32 $0xFFFFFFFF;
	p2 =	slt.u32 s8, $0xFFFFF086  }
0x1c: {  	p1 =	slt.u32 s9, $0xF7A;
	s5 =	simm.s32 @!p2 $0x0  }
0x1d: {  	s5 =	simm.s32 @p1 $0x1;
	p0 =	seq.s32 s7, s2  }
0x1e: {  	s7 =	smul.u32 @!p0 $0xF7A, s2;
	p2 =	seq.s32 @!p0 s5, $0x0  }
0x1f: {  	s9 =	smul.u32 $0xF7A, s1;
	s8 =	simm.s32 @!p0 $0x1BF5;
	p2 =	por !p2, p0  }
0x20: {  	[sflag:s8] =	ssyncset.s32 @!p0 $0xFFFFF086;
	s6 =	sadd.s32 @!p0 s3, s7;
	s7 =	simm.s32 @!p0 $0x108  }
0x21: {  	s3 =	sadd.s32 s3, s9;
	s6 =	sadd.s32 @!p0 $0x88, s6;
	s7 =	simm.s32 @p2 $0x1082  }
0x22: {  	[simem:s7], [sflag:s8] =	dma.local @!p0 [hbm:s6], $0xF7A  }
0x23: {  	s9 =	sor.u32 $0xD0000000, s2;
	s6 =	simm.s32 $0x108;
	_ =	swait.ge @!p0 [sflag:s8], $0x0  }
0x24: {  	s3 =	sadd.s32 $0x88, s3;
	s6 =	simm.s32 @!p1 $0x1082;
	[sflag:s4] =	ssyncset.s32 $0xFFFFF086  }
0x25: {  	[simem:s6], [sflag:s4] =	dma.local [hbm:s3], $0xF7A  }
0x26: {  	[smem:$0x3F9E] =	sst s1;
	(tag) =	ssettag s2;
	_ =	strace s9  }
0x27: {  	s1 =	sld [smem:$0x3FAE]  }
0x28: {  	s2 =	sld [smem:$0x3FAF]  }
0x29: {  	s4 =	sld [smem:$0x3FB1]  }
0x2a: {  	p0 =	seq.s32 s5, $0x0;
	s5 =	sld [smem:$0x3FB2]  }
0x2b: {  	s6 =	sld [smem:$0x3FB3]  }
0x2c: {  	s7 =	sld [smem:$0x3FB4]  }
0x2d: {  	s3 =	simm.s32 $0x108;
	s8 =	sld [smem:$0x3FB5]  }
0x2e: {  	s3 =	simm.s32 @!p0 $0x1082;
	s9 =	sld [smem:$0x3FB6]  }
0x2f: {  	lr =	sadd.s32 s0, s3;
	s0 =	sld [smem:$0x3FAD]  }
0x30: {  	s3 =	sld [smem:$0x3FB0]  }
0x31: {  	[smem:$0x3FB9] =	sst s10  }
0x32: {  	s10 =	sld [smem:$0x3FB7];
	_ =	sdelay $0x3  }
0x33: {  	p0 =	seq.s32 s10, $0x1;
	s10 =	sld [smem:$0x3FB9];
	_ =	sdelay $0x3  }
0x34: {  	[smem:$0x3FB9] =	sst s10  }
0x35: {  	s10 =	sld [smem:$0x3FB8];
	_ =	sdelay $0x3  }
0x36: {  	p1 =	seq.s32 s10, $0x1;
	s10 =	sld [smem:$0x3FB9];
	_ =	sdelay $0x3  }
0x37: {  	[smem:$0x3FB9] =	sst s10  }
0x38: {  	s10 =	sld [smem:$0x3FBA]  }
0x39: {  	_ = 	snop;
	(pc) =	sbr.ind lr, $3  }
0x3a: {  	_ = 	snop  }
0x3b: {  	_ = 	snop  }
0x3c: {  	p2 =	seq.s32 s10, $0x1;
	s10 =	sld [smem:$0x3FB9]  }
0x3d: {  	_ =	shalt  }
0x3e: {  	_ =	shalt  }
0x3f: {  	_ =	shalt  }
0x40: {  	_ =	shalt  }
0x41: {  	_ =	shalt  }
0x42: {  	_ =	shalt  }
0x43: {  	_ =	shalt  }
0x44: {  	_ =	shalt  }
0x45: {  	_ =	shalt  }
0x46: {  	_ =	shalt  }
0x47: {  	_ =	shalt  }
0x48: {  	_ =	shalt  }
0x49: {  	_ =	shalt  }
0x4a: {  	_ =	shalt  }
0x4b: {  	_ =	shalt  }
0x4c: {  	_ =	shalt  }
0x4d: {  	_ =	shalt  }
0x4e: {  	_ =	shalt  }
0x4f: {  	_ =	shalt  }
0x50: {  	_ =	shalt  }
0x51: {  	_ =	shalt  }
0x52: {  	_ =	shalt  }
0x53: {  	_ =	shalt  }
0x54: {  	_ =	shalt  }
0x55: {  	_ =	shalt  }
0x56: {  	_ =	shalt  }
0x57: {  	_ =	shalt  }
0x58: {  	_ =	shalt  }
0x59: {  	_ =	shalt  }
0x5a: {  	_ =	shalt  }
0x5b: {  	_ =	shalt  }
0x5c: {  	_ =	shalt  }
0x5d: {  	_ =	shalt  }
0x5e: {  	_ =	shalt  }
0x5f: {  	_ =	shalt  }
0x60: {  	_ =	shalt  }
0x61: {  	_ =	shalt  }
0x62: {  	_ =	shalt  }
0x63: {  	_ =	shalt  }
0x64: {  	_ =	shalt  }
0x65: {  	_ =	shalt  }
0x66: {  	_ =	shalt  }
0x67: {  	_ =	shalt  }
0x68: {  	_ =	shalt  }
0x69: {  	_ =	shalt  }
0x6a: {  	_ =	shalt  }
0x6b: {  	_ =	shalt  }
0x6c: {  	_ =	shalt  }
0x6d: {  	_ =	shalt  }
0x6e: {  	_ =	shalt  }
0x6f: {  	_ =	shalt  }
0x70: {  	_ =	shalt  }
0x71: {  	_ =	shalt  }
0x72: {  	_ =	shalt  }
0x73: {  	_ =	shalt  }
0x74: {  	_ =	shalt  }
0x75: {  	_ =	shalt  }
0x76: {  	_ =	shalt  }
0x77: {  	_ =	shalt  }
0x78: {  	_ =	shalt  }
0x79: {  	_ =	shalt  }
0x7a: {  	_ =	shalt  }
0x7b: {  	_ =	shalt  }
0x7c: {  	_ =	shalt  }
0x7d: {  	_ =	shalt  }
0x7e: {  	_ =	shalt  }
0x7f: {  	_ =	shalt  }
0x80: {  	_ =	shalt  }
0x81: {  	_ =	shalt  }
0x82: {  	_ =	shalt  }
0x83: {  	_ =	shalt  }
0x84: {  	_ =	shalt  }
0x85: {  	_ =	shalt  }
0x86: {  	_ =	shalt  }
0x87: {  	_ =	shalt  }
.Lfunc_end0:
.L_simem_size_0:
called_computation.1_lowered:
.L_overlay_start_0:
0x88: {  	s2 =	sld [smem:$0x3FD9]  }
0x89: {  	s3 =	sld [smem:$0x3FFE];
	_ =	sdelay $0x1  }
0x8a: {  	s1 =	srdreg.scid  }
0x8b: {  	s0 =	sand.u32 $0x1, s1  }
0x8c: {  	s17 =	sshll.u32 s0, $0xA;
	s2 =	sadd.s32 s3, s2  }
0x8d: {  	s2 =	sadd.s32 s2, s17  }
0x8e: {  	[smem:$0x3FC5] =	sst s2  }
0x8f: {  	_ = 	snop  }
0x90: {  	s2 =	sld [smem:$0x3FD0];
	(tm) =	ssettm $0x1  }
0x91: {  	s18 =	sld [smem:$0x3FFB];
	_ =	sdelay $0x3  }
0x92: {  	_ =	strace s18  }
0x93: {  	s3 =	sld [smem:$0x3FFC];
	_ =	sdelay $0x3  }
0x94: {  	_ =	strace s3  }
0x95: {  	s3 =	sld [smem:$0x3FFD];
	_ =	sdelay $0x3  }
0x96: {  	_ =	strace s3  }
0x97: {  	_ =	strace $0x8FFFFFFF  }
0x98: {  	s19 =	sld [smem:$0x3FDB];
	_ =	sdelay $0x1  }
0x99: {  	s4 =	simm.s32 $_scs_section_size  }
0x9a: {  	s5 =	simm.s32 $_size__tile_overlayer_lowered;
	s6 =	simm.s32 $_tile_overlayer_lowered  }
0x9b: {  	s22 =	simm.s32 $0x1BFF;
	s21 =	sshll.u32 s6, $0x1;
	s3 =	sadd.s32 s4, s19  }
0x9c: {  	s7 =	simm.s32 $0x0;
	s20 =	sshll.u32 s5, $0x1;
	s5 =	sadd.s32 s21, s3  }
0x9d: {  	[timem:s7], [sflag:s22] =	dma.local [hbm:s5], s20  }
0x9e: {  	_ =	swait.ge [sflag:s22], s20  }
0x9f: {  	s4 =	ssub.s32 $0x0, s20;
	[sflag:s22] =	ssyncset.done $0x0  }
0xa0: {  	[sflag:s22] =	ssyncadd.s32 s4;
	_ =	sdelay $0x1  }
0xa1: {  	s23 =	simm.s32 $0x1B8B  }
0xa2: {  	_ =	swait.ge [sflag:s23], $0x1  }
0xa3: {  	[sflag:s23] =	ssyncset.done $0x0  }
0xa4: {  	s25 =	simm.s32 $0x1B8E;
	s24 =	sld [smem:$0x3FFE];
	[sflag:s23] =	ssyncadd.s32 $0xFFFFFFFF  }
0xa5: {  	s26 =	simm.s32 $execute0_lowered;
	[smem:$0x3FD2] =	sst s25  }
0xa6: {  	s5 =	sshll.u32 s26, $0x1;
	_ =	strace $0x80000046;
	[dreg:$0x1] =	wrdreg $0xFFFFFFFF  }
0xa7: {  	s28 =	simm.s32 $_size_execute0_lowered;
	s3 =	sadd.s32 s3, s5;
	[dreg:$0x0] =	wrdreg $0x0  }
0xa8: {  	s5 =	sshll.u32 s28, $0x1;
	[dreg:$0x2] =	wrdreg s3  }
0xa9: {  	[dreg:$0x3] =	wrdreg s5  }
0xaa: {  	[dreg:$0x4] =	wrdreg $0xC0  }
0xab: {  	_ =	task [dreg:s7], $0x5FFFF  }
0xac: {  	[dreg:$0x1] =	wrdreg $0xFFFFFFFF  }
0xad: {  	[dreg:$0x0] =	wrdreg $0x60  }
0xae: {  	[dreg:$0x2] =	wrdreg s24  }
0xaf: {  	[dreg:$0x3] =	wrdreg s2  }
0xb0: {  	[dreg:$0x4] =	wrdreg $0x0  }
0xb1: {  	[dreg:$0x5] =	wrdreg $0x9  }
0xb2: {  	_ =	task.clear_ibuf [dreg:s7], $0x6FFFF;
	_ =	strace $0x90000046  }
0xb3: {  	s29 =	simm.s32 $0x9;
	_ =	strace $0x80000048  }
0xb4: {  	_ =	swait.ge [sflag:s29], $0x1  }
0xb5: {  	[sflag:s29] =	ssyncadd.s32 $0xFFFFFFFF  }
0xb6: {  	_ =	strace $0x90000048  }
0xb7: {  	_ =	sfence  }
0xb8: {  	s30 =	sld [smem:$0x0];
	_ =	sdelay $0x2  }
0xb9: {  	s31 =	sshll.u32 s1, $0xD;
	s1 =	sshrl.u32 s1, $0x2  }
0xba: {  	s3 =	sand.u32 $0x4000, s31;
	s1 =	sadd.s32 s1, s30  }
0xbb: {  	s0 =	sor.u32 s3, s0;
	s1 =	sshll.u32 s1, $0x11  }
0xbc: {  	s0 =	sor.u32 s1, s0  }
0xbd: {  	s0 =	sadd.s32 $0x8F2B, s0  }
0xbe: {  	[sflag:s0] =	ssyncadd.remote.s32 $0x1  }
0xbf: {  	_ =	sfence.sel $0xFFFF  }
0xc0: {  	[dreg:$0x0] =	wrdreg $0xFFFFFFFF;
	(pc) =	sbr.abs _section_cstart, $3  }
0xc1: {  	[dreg:$0x1] =	wrdreg $0xFFFFFFFF  }
0xc2: {  	_ =	task.clear_ibuf [dreg:s7], $0x2FFFF;
	_ =	strace $0x9FFFFFFF  }
0xc3: {  	(tm) =	ssettm $0x7FFFFFFF  }
tec
execute0_lowered:
.L_overlay_start_1:
0x0: {  	(tag) =	ssettag $0x1  }
0x1: {  	s0 =	rddreg [dreg:$0x0];
	s1 =	srdreg.scid  }
0x2: {  	s4 =	stileid.u32;
	s5 =	rddreg [dreg:$0x1];
	s12 =	simm.s32 $0x0  }
0x3: {  	s31 =	simm.s32 $0x8;
	s6 =	sand.u32 $0x1, s1;
	s1 =	rddreg [dreg:$0x2]  }
0x4: {  	s2 =	sshll.u32 s4, $0x1;
	[smem:$0x7FF] =	sst s12;
	s7 =	smul.u32 $0x320000, s4  }
0x5: {  	s11 =	smul.u32 $0xC800, s4;
	s3 =	sor.u32 s6, s2;
	_ =	strace $0x80000047  }
0x6: {  	s8 =	smul.u32 $0x190000, s6;
	s10 =	ssub.s32 $0x2, s6;
	s14 =	sadd.s32 $0x2000, s1  }
0x7: {  	s6 =	smul.u32 $0x6400, s6;
	s16 =	sadd.s32 $0xE00, s1;
	[dreg:$0xe] =	wrdreg s14  }
0x8: {  	s17 =	sadd.s32 $0x2E00, s1;
	s19 =	sadd.s32 $0x1C00, s1;
	[dreg:$0xf] =	wrdreg s16  }
0x9: {  	s3 =	smul.u32 $0x6400, s3;
	s12 =	sshrl.u32 s10, $0x1;
	[dreg:$0x10] =	wrdreg s17  }
0xa: {  	[dreg:$0x11] =	wrdreg s19;
	s13 =	ssub.s32 s10, s12;
	s7 =	sadd.s32 s8, s7  }
0xb: {  	s6 =	sadd.s32 s6, s11;
	s3 =	sshrl.u32 s3, $0x3;
	s15 =	sshrl.u32 s7, $0x3  }
0xc: {  	s6 =	sshll.u32 s6, $0x3;
	s20 =	sor.u32 $0xE000, s7;
	s21 =	sor.u32 $0x8000, s7  }
0xd: {  	s9 =	sadd.s32 s3, s0;
	s3 =	sadd.s32 $0x1A000, s0;
	s0 =	sadd.s32 $0x800, s0  }
0xe: {  	s25 =	sor.u32 $0xC000, s7;
	s8 =	sadd.s32 s15, s5;
	[dreg:$0xc] =	wrdreg s0  }
0xf: {  	s6 =	sadd.s32 s6, s5;
	s9 =	sadd.s32 $0x1000, s9;
	[dreg:$0x4] =	wrdreg s8  }
0x10: {  	s28 =	sor.u32 $0x6000, s7;
	s18 =	sadd.s32 $0x800, s6;
	[dreg:$0xd] =	wrdreg s9  }
0x11: {  	s23 =	sshrl.u32 s21, $0x3;
	s6 =	sadd.s32 $0x400, s6;
	[dreg:$0x5] =	wrdreg s18  }
0x12: {  	s7 =	sor.u32 $0xA000, s7;
	s24 =	sadd.s32 s23, s5;
	[dreg:$0x6] =	wrdreg s6  }
0x13: {  	s7 =	sshrl.u32 s7, $0x3;
	s0 =	smax.u32 s13, $0x1;
	[dreg:$0x8] =	wrdreg s24  }
0x14: {  	s8 =	sshrl.u32 s20, $0x3;
	s30 =	sadd.s32 s7, s5;
	[dreg:$0x12] =	wrdreg s0  }
0x15: {  	s26 =	sshrl.u32 s25, $0x3;
	s22 =	sadd.s32 s8, s5;
	[dreg:$0xb] =	wrdreg s30  }
0x16: {  	p0 =	sne.s32 s4, $0x0;
	s6 =	sadd.s32 s26, s5;
	[dreg:$0x7] =	wrdreg s22  }
0x17: {  	s8 =	sshrl.u32 s28, $0x3;
	s0 =	sshrl.u32 @!p0 s1, $0x3;
	[dreg:$0x9] =	wrdreg s6  }
0x18: {  	s9 =	sadd.s32 $0x3200, s1;
	s29 =	sadd.s32 s8, s5;
	[dreg:$0x13] =	wrdreg s0  }
0x19: {  	s2 =	simm.s32 $0x0;
	s0 =	sshrl.u32 @!p0 s9, $0x3;
	[dreg:$0xa] =	wrdreg s29  }
0x1a: {  	s13 =	simm.s32 $0x14A40;
	s24 =	simm.s32 $0x0;
	[dreg:$0x14] =	wrdreg s0  }
.LBB2_1:
0x1b: {  	[dreg:$0x15] =	wrdreg s2  }
0x1c: {  	s0 =	rddreg [dreg:$0xd]  }
0x1d: {  	s6 =	simm.s32 $0x640;
	s19 =	simm.s32 $0x0;
	s22 =	simm.s32 $0x19  }
0x1e: {  	[tilespmem:s6], [sflag:$0x19] =	stream.linear.gather [hbm4b:s0+s19], $0x6400, $0x38;
	[tilespmem:$0x16A40] =	vst v63  }
0x1f: {  	_ =	swait.ge [sflag:s22], $0x6400  }
0x20: {  	[sflag:s22] =	ssyncset.done $0x0;
	s5 =	rddreg [dreg:$0xc]  }
0x21: {  	s0 =	simm.s32 @!p0 $0x1C19;
	s4 =	rddreg [dreg:$0x13];
	[sflag:s22] =	ssyncadd.s32 $0xFFFF9C00  }
0x22: {  	[spmem:s4], [sflag:s0] =	dma.local @!p0 [hbm:s5], $0x640  }
0x23: {  	s4 =	simm.s32 @!p0 $0x19  }
0x24: {  	_ =	swait.ge @!p0 [sflag:s4], $0x640  }
0x25: {  	[sflag:s4] =	ssyncset.done @!p0 $0x0  }
0x26: {  	s7 =	rddreg [dreg:$0x14];
	[sflag:s4] =	ssyncadd.s32 @!p0 $0xFFFFF9C0  }
0x27: {  	[spmem:s7], [sflag:s0] =	dma.local @!p0 [hbm:s5], $0x640  }
0x28: {  	_ =	swait.ge @!p0 [sflag:s4], $0x640  }
0x29: {  	[sflag:s4] =	ssyncset.done @!p0 $0x0  }
0x2a: {  	[sflag:s4] =	ssyncadd.s32 @!p0 $0xFFFFF9C0  }
0x2b: {  	[bflag:$0x0] =	sbarrier.arrive $0xFFFF  }
0x2c: {  	s23 =	simm.s32 $0x6A40;
	s8 =	simm.s32 $0xAA40;
	s2 =	rddreg [dreg:$0x2]  }
0x2d: {  	[tilespmem:s23], [sflag:$0x1] =	stream.linear.gather [spmem:s2], $0x2000, $0x38;
	[tilespmem:$0x16A40] =	vst v63  }
0x2e: {  	s9 =	simm.s32 $0xCA40;
	s7 =	simm.s32 $0x8A40;
	s25 =	rddreg [dreg:$0xe]  }
0x2f: {  	[tilespmem:s7], [sflag:$0x2] =	stream.linear.gather [spmem:s25], $0x2000, $0x38;
	[tilespmem:$0x16A40] =	vst v63  }
0x30: {  	s11 =	simm.s32 $0xEA40;
	s10 =	simm.s32 $0x6C0;
	s26 =	rddreg [dreg:$0xf]  }
0x31: {  	[tilespmem:s8], [sflag:$0x3] =	stream.linear.gather [spmem:s26], $0x2000, $0x38;
	[tilespmem:$0x16A40] =	vst v63  }
0x32: {  	s12 =	simm.s32 $0x3;
	s14 =	simm.s32 $0x280;
	s30 =	rddreg [dreg:$0x10]  }
0x33: {  	[tilespmem:s9], [sflag:$0x4] =	stream.linear.gather [spmem:s30], $0x2000, $0x38;
	[tilespmem:$0x16A40] =	vst v63  }
0x34: {  	s0 =	sand.u32 $0xFF80, s14;
	s4 =	simm.s32 $0x1;
	s1 =	rddreg [dreg:$0x11]  }
0x35: {  	[tilespmem:s11], [sflag:$0x5] =	stream.linear.gather [spmem:s1], $0x2000, $0x38;
	[tilespmem:$0x16A40] =	vst v63  }
0x36: {  	s15 =	simm.s32 $0x740;
	s0 =	smul.u32 $0x147B, s0;
	_ =	swait.ge [sflag:s4], $0x2000  }
0x37: {  	p1 =	por $0x1, $0x1;
	s17 =	simm.s32 $0x7C0;
	[sflag:s4] =	ssyncset.done $0x0  }
0x38: {  	s0 =	sshrl.u32 s0, $0x14;
	s1 =	simm.s32 $0x80;
	[sflag:s4] =	ssyncadd.s32 $0xFFFFE000  }
0x39: {  	[tilespmem:s23], [sflag:$0x9] =	stream.indirect.gather.add.f32 [hbm:s3], $0x40, s6, s1, $0xb8;
	[tilespmem:$0x16A40] =	vst v63  }
0x3a: {  	s18 =	simm.s32 $0x9;
	s0 =	smul.u32 $0xC8, s0;
	s6 =	simm.s32 $0x2  }
0x3b: {  	s21 =	simm.s32 $0x2000;
	p2 =	por $0x0, $0x0;
	_ =	swait.ge [sflag:s6], $0x2000  }
0x3c: {  	s28 =	simm.s32 $0x680;
	s0 =	ssub.s32 $0x280, s0;
	[sflag:s6] =	ssyncset.done $0x0  }
0x3d: {  	s22 =	simm.s32 $0x380;
	s0 =	sshll.u32 s0, $0x6;
	[sflag:s6] =	ssyncadd.s32 $0xFFFFE000  }
0x3e: {  	[tilespmem:s7], [sflag:$0xA] =	stream.indirect.gather.add.f32 [hbm:s3], $0x40, s10, s1, $0xb8;
	[tilespmem:$0x16A40] =	vst v63  }
0x3f: {  	s14 =	simm.s32 @!p1 $0x17;
	s0 =	sand.u32 $0x3E00, s0;
	_ =	swait.ge [sflag:s12], $0x2000  }
0x40: {  	s5 =	simm.s32 $0x12A40;
	s0 =	sadd.s32 s0, s2;
	[sflag:s12] =	ssyncset.done $0x0  }
0x41: {  	s4 =	simm.s32 @!p1 $0x16;
	[sflag:s12] =	ssyncadd.s32 $0xFFFFE000;
	s12 =	simm.s32 $0x300  }
0x42: {  	[tilespmem:s8], [sflag:$0xB] =	stream.indirect.gather.add.f32 [hbm:s3], $0x40, s15, s1, $0xb8;
	[tilespmem:$0x16A40] =	vst v63  }
0x43: {  	s12 =	sand.u32 $0xFF80, s12;
	s15 =	simm.s32 @!p2 $0x90;
	_ =	swait.ge @!p1 [sflag:s4], $0x2000  }
0x44: {  	s16 =	smul.u32 $0x147B, s12;
	s15 =	sand.u32 @!p2 $0x1FF0, s15;
	[sflag:s4] =	ssyncset.done @!p1 $0x0  }
0x45: {  	s6 =	simm.s32 $0x10A40;
	s15 =	smul.u32 @!p2 $0x147B, s15;
	[sflag:s4] =	ssyncadd.s32 @!p1 $0xFFFFE000  }
0x46: {  	[tilespmem:s6], [sflag:$0x6] =	stream.linear.gather [spmem:s0], $0x2000, $0x38;
	[tilespmem:$0x16A40] =	vst v63  }
0x47: {  	s25 =	simm.s32 $0x840;
	s10 =	simm.s32 $0x4;
	s0 =	sshrl.u32 s16, $0x14  }
0x48: {  	s15 =	sshrl.u32 @!p2 s15, $0x11;
	_ =	swait.ge [sflag:s10], $0x2000;
	s0 =	smul.u32 $0xC8, s0  }
0x49: {  	s26 =	simm.s32 $0xA;
	s15 =	smul.u32 @!p2 $0xC8, s15;
	[sflag:s10] =	ssyncset.done $0x0  }
0x4a: {  	s4 =	simm.s32 $0x8C0;
	s16 =	simm.s32 @!p2 $0xA0;
	[sflag:s10] =	ssyncadd.s32 $0xFFFFE000  }
0x4b: {  	s0 =	ssub.s32 $0x300, s0;
	s15 =	ssub.s32 @!p2 $0x480, s15;
	s10 =	simm.s32 $0xB  }
0x4c: {  	[tilespmem:s9], [sflag:$0xC] =	stream.indirect.gather.add.f32 [hbm:s3], $0x40, s17, s1, $0xb8;
	[tilespmem:$0x16A40] =	vst v63  }
0x4d: {  	s0 =	sshll.u32 s0, $0x6;
	s17 =	simm.s32 @!p1 $0x18;
	s15 =	sshll.u32 @!p2 s15, $0x6  }
0x4e: {  	s9 =	simm.s32 $0x6;
	_ =	swait.ge [sflag:s18], $0x2000;
	s0 =	sand.u32 $0x3E00, s0  }
0x4f: {  	s15 =	sand.u32 @!p2 $0x3E00, s15;
	s20 =	rddreg [dreg:$0x4];
	[sflag:s18] =	ssyncset.done $0x0  }
0x50: {  	s0 =	sadd.s32 s0, s2;
	[sflag:s18] =	ssyncadd.s32 $0xFFFFE000;
	s12 =	sadd.s32 $0x0, s20  }
0x51: {  	[hbm4b:s12+s19] =	stream.linear.scatter [tilespmem:s23], [sflag:$0x11], $0x2000, $0x38;
	[tilespmem:$0x16A40] =	vst v63  }
0x52: {  	s20 =	simm.s32 $0x12;
	s12 =	simm.s32 @!p2 $0x80;
	_ =	swait.ge @!p1 [sflag:s14], $0x2000  }
0x53: {  	s23 =	simm.s32 $0x5;
	s12 =	sand.u32 @!p2 $0x1FF0, s12;
	[sflag:s14] =	ssyncset.done @!p1 $0x0  }
0x54: {  	s12 =	smul.u32 @!p2 $0x147B, s12;
	[sflag:s14] =	ssyncadd.s32 @!p1 $0xFFFFE000;
	s14 =	sand.u32 $0xFF80, s22  }
0x55: {  	[tilespmem:s5], [sflag:$0x7] =	stream.linear.gather [spmem:s0], $0x2000, $0x38;
	[tilespmem:$0x16A40] =	vst v63  }
0x56: {  	s22 =	simm.s32 $0x4000;
	s0 =	sand.u32 @!p2 $0x1FF0, s16;
	s14 =	smul.u32 $0x147B, s14  }
0x57: {  	s12 =	sshrl.u32 @!p2 s12, $0x11;
	_ =	swait.ge [sflag:s23], $0x2000;
	s0 =	smul.u32 @!p2 $0x147B, s0  }
0x58: {  	s12 =	smul.u32 @!p2 $0xC8, s12;
	[sflag:s23] =	ssyncset.done $0x0;
	s14 =	sshrl.u32 s14, $0x14  }
0x59: {  	[sflag:s23] =	ssyncadd.s32 $0xFFFFE000;
	s14 =	smul.u32 $0xC8, s14;
	s0 =	sshrl.u32 @!p2 s0, $0x11  }
0x5a: {  	[tilespmem:s11], [sflag:$0xD] =	stream.indirect.gather.add.f32 [hbm:s3], $0x40, s25, s1, $0xb8;
	[tilespmem:$0x16A40] =	vst v63  }
0x5b: {  	s12 =	ssub.s32 @!p2 $0x400, s12;
	s0 =	smul.u32 @!p2 $0xC8, s0;
	_ =	swait.ge [sflag:s26], $0x2000  }
0x5c: {  	s12 =	sshll.u32 @!p2 s12, $0x6;
	s30 =	rddreg [dreg:$0x6];
	[sflag:s26] =	ssyncset.done $0x0  }
0x5d: {  	s25 =	simm.s32 $0xC;
	[sflag:s26] =	ssyncadd.s32 $0xFFFFE000;
	s16 =	sadd.s32 $0x0, s30  }
0x5e: {  	[hbm4b:s16+s19] =	stream.linear.scatter [tilespmem:s7], [sflag:$0x12], $0x2000, $0x38;
	[tilespmem:$0x16A40] =	vst v63  }
0x5f: {  	s14 =	ssub.s32 $0x380, s14;
	s12 =	sand.u32 @!p2 $0x3E00, s12;
	_ =	swait.ge @!p1 [sflag:s17], $0x2000  }
0x60: {  	s14 =	sshll.u32 s14, $0x6;
	s12 =	sadd.s32 @!p2 s12, s2;
	[sflag:s17] =	ssyncset.done @!p1 $0x0  }
0x61: {  	s14 =	sand.u32 $0x3E00, s14;
	[sflag:s17] =	ssyncadd.s32 @!p1 $0xFFFFE000;
	p1 =	por p2, p2  }
0x62: {  	s14 =	sadd.s32 s14, s2;
	s16 =	simm.s32 @!p1 $0x580;
	s0 =	ssub.s32 @!p1 $0x500, s0  }
0x63: {  	[tilespmem:s13], [sflag:$0x8] =	stream.linear.gather [spmem:s14], $0x2000, $0x38;
	[tilespmem:$0x16A40] =	vst v63  }
0x64: {  	s14 =	simm.s32 @!p1 $0x600;
	s26 =	simm.s32 @!p1 $0x6A40;
	s16 =	sand.u32 @!p1 $0xFFF8, s16  }
0x65: {  	_ =	swait.ge [sflag:s9], $0x2000;
	s14 =	sand.u32 @!p1 $0xFFF8, s14;
	s16 =	sshrl.u32 @!p1 s16, $0x3  }
0x66: {  	[sflag:s9] =	ssyncset.done $0x0;
	s14 =	sshrl.u32 @!p1 s14, $0x3;
	s16 =	smul.u32 @!p1 $0x147B, s16  }
0x67: {  	s0 =	sshll.u32 @!p1 s0, $0x6;
	[sflag:s9] =	ssyncadd.s32 $0xFFFFE000;
	s14 =	smul.u32 @!p1 $0x147B, s14  }
0x68: {  	[tilespmem:s6], [sflag:$0xE] =	stream.indirect.gather.add.f32 [hbm:s3], $0x40, s4, s1, $0xb8;
	[tilespmem:$0x16A40] =	vst v63  }
0x69: {  	s13 =	simm.s32 $0x7;
	s0 =	sand.u32 @!p1 $0x3E00, s0;
	s16 =	sshrl.u32 @!p1 s16, $0x11  }
0x6a: {  	_ =	swait.ge [sflag:s10], $0x2000;
	s14 =	sshrl.u32 @!p1 s14, $0x11;
	s16 =	smul.u32 @!p1 $0xC8, s16  }
0x6b: {  	s11 =	rddreg [dreg:$0x5];
	[sflag:s10] =	ssyncset.done $0x0;
	s14 =	smul.u32 @!p1 $0xC8, s14  }
0x6c: {  	[sflag:s10] =	ssyncadd.s32 $0xFFFFE000;
	s17 =	sadd.s32 $0x0, s11;
	s16 =	ssub.s32 @!p1 $0x580, s16  }
0x6d: {  	[hbm4b:s17+s19] =	stream.linear.scatter [tilespmem:s8], [sflag:$0x13], $0x2000, $0x38;
	[tilespmem:$0x16A40] =	vst v63  }
0x6e: {  	s18 =	sadd.s32 @!p1 s0, s2;
	s0 =	sshll.u32 @!p1 s16, $0x6;
	s16 =	simm.s32 @!p1 $0x11  }
0x6f: {  	s14 =	ssub.s32 @!p1 $0x600, s14;
	s0 =	sand.u32 @!p1 $0x3FC0, s0;
	_ =	swait.ge @!p1 [sflag:s16], $0x2000  }
0x70: {  	s19 =	simm.s32 $0x940;
	s17 =	sadd.s32 @!p1 s0, s2;
	[sflag:s16] =	ssyncset.done @!p1 $0x0  }
0x71: {  	s0 =	sshll.u32 @!p1 s14, $0x6;
	s14 =	sand.u32 $0xFF80, s28;
	[sflag:s16] =	ssyncadd.s32 @!p1 $0xFFFFE000  }
0x72: {  	[tilespmem:s26], [sflag:$0x1] =	stream.linear.gather @!p1 [spmem:s12], $0x2000, $0x38;
	[tilespmem:$0x16A40] =	vst v63  }
0x73: {  	s0 =	sand.u32 @!p1 $0x3FC0, s0;
	s23 =	smul.u32 $0x147B, s14;
	_ =	swait.ge [sflag:s13], $0x2000  }
0x74: {  	s14 =	simm.s32 $0xCC0;
	s16 =	sadd.s32 @!p1 s0, s2;
	[sflag:s13] =	ssyncset.done $0x0  }
0x75: {  	s0 =	sadd.s32 @!p1 s15, s2;
	s12 =	simm.s32 $0x400;
	[sflag:s13] =	ssyncadd.s32 $0xFFFFE000  }
0x76: {  	[tilespmem:s5], [sflag:$0xF] =	stream.indirect.gather.add.f32 [hbm:s3], $0x40, s19, s1, $0xb8;
	[tilespmem:$0x16A40] =	vst v63  }
0x77: {  	s15 =	simm.s32 $0x0;
	s30 =	sshrl.u32 s23, $0x14;
	_ =	swait.ge [sflag:s25], $0x2000  }
0x78: {  	s29 =	smul.u32 $0xC8, s30;
	s19 =	rddreg [dreg:$0xa];
	[sflag:s25] =	ssyncset.done $0x0  }
.LBB2_2:
0x79: {  	s1 =	simm.s32 $0xC;
	s23 =	sadd.s32 s15, s19  }
0x7a: {  	s25 =	simm.s32 @!p1 $0x12;
	s9 =	simm.s32 $0xCA40;
	[sflag:s1] =	ssyncadd.s32 $0xFFFFE000  }
0x7b: {  	[hbm4b:s23+s24] =	stream.linear.scatter [tilespmem:s9], [sflag:$0x14], $0x2000, $0x38;
	[tilespmem:$0x16A40] =	vst v63  }
0x7c: {  	_ =	swait.ge @!p1 [sflag:s25], $0x2000  }
0x7d: {  	[sflag:s25] =	ssyncset.done @!p1 $0x0  }
0x7e: {  	s30 =	simm.s32 @!p1 $0x8A40;
	[sflag:s25] =	ssyncadd.s32 @!p1 $0xFFFFE000  }
0x7f: {  	[tilespmem:s30], [sflag:$0x2] =	stream.linear.gather @!p1 [spmem:s0], $0x2000, $0x38;
	[tilespmem:$0x16A40] =	vst v63  }
0x80: {  	s7 =	sadd.s32 $0x100, s4;
	_ =	swait.ge [sflag:s31], $0x2000  }
0x81: {  	s13 =	simm.s32 $0x14A40;
	s2 =	simm.s32 $0xD;
	[sflag:s31] =	ssyncset.done $0x0  }
0x82: {  	s11 =	simm.s32 $0xEA40;
	s1 =	simm.s32 $0x80;
	[sflag:s31] =	ssyncadd.s32 $0xFFFFE000  }
0x83: {  	[tilespmem:s13], [sflag:$0x10] =	stream.indirect.gather.add.f32 [hbm:s3], $0x40, s7, s1, $0xb8;
	[tilespmem:$0x16A40] =	vst v63  }
0x84: {  	s31 =	simm.s32 @!p1 $0x13;
	s7 =	sadd.s32 $0xFFFFFFFC, s20;
	_ =	swait.ge [sflag:s2], $0x2000  }
0x85: {  	s7 =	sshll.u32 s7, $0x7;
	s8 =	rddreg [dreg:$0x8];
	[sflag:s2] =	ssyncset.done $0x0  }
0x86: {  	s10 =	sand.u32 $0xFF80, s7;
	[sflag:s2] =	ssyncadd.s32 $0xFFFFE000;
	s25 =	sadd.s32 s15, s8  }
0x87: {  	[hbm4b:s25+s24] =	stream.linear.scatter [tilespmem:s11], [sflag:$0x15], $0x2000, $0x38;
	[tilespmem:$0x16A40] =	vst v63  }
0x88: {  	s25 =	smul.u32 $0x147B, s10;
	_ =	swait.ge @!p1 [sflag:s31], $0x2000  }
0x89: {  	[sflag:s31] =	ssyncset.done @!p1 $0x0  }
0x8a: {  	s2 =	sshrl.u32 s25, $0x14;
	[sflag:s31] =	ssyncadd.s32 @!p1 $0xFFFFE000;
	s31 =	simm.s32 @!p1 $0xAA40  }
0x8b: {  	[tilespmem:s31], [sflag:$0x3] =	stream.linear.gather @!p1 [spmem:s18], $0x2000, $0x38;
	[tilespmem:$0x16A40] =	vst v63  }
0x8c: {  	s5 =	simm.s32 @!p1 $0x1;
	s6 =	ssub.s32 s28, s29;
	s18 =	smul.u32 $0xC8, s2  }
0x8d: {  	s29 =	simm.s32 @!p1 $0x80;
	s23 =	sshll.u32 s6, $0x6;
	_ =	swait.ge @!p1 [sflag:s5], $0x2000  }
0x8e: {  	s6 =	sadd.s32 @!p1 $0x180, s4;
	[sflag:s5] =	ssyncset.done @!p1 $0x0;
	s7 =	ssub.s32 s7, s18  }
0x8f: {  	s10 =	simm.s32 $0xE;
	[sflag:s5] =	ssyncadd.s32 @!p1 $0xFFFFE000;
	s5 =	sshll.u32 s7, $0x6  }
0x90: {  	[tilespmem:s26], [sflag:$0x9] =	stream.indirect.gather.add.f32 @!p1 [hbm:s3], $0x40, s6, s29, $0xb8;
	[tilespmem:$0x16A40] =	vst v63  }
0x91: {  	s18 =	sand.u32 $0x3E00, s5;
	_ =	swait.ge [sflag:s10], $0x2000  }
0x92: {  	s5 =	simm.s32 @!p1 $0x14;
	s26 =	rddreg [dreg:$0xb];
	[sflag:s10] =	ssyncset.done $0x0  }
0x93: {  	[sflag:s10] =	ssyncadd.s32 $0xFFFFE000;
	s7 =	sadd.s32 s15, s26;
	s10 =	simm.s32 $0x10A40  }
0x94: {  	[hbm4b:s7+s24] =	stream.linear.scatter [tilespmem:s10], [sflag:$0x16], $0x2000, $0x38;
	[tilespmem:$0x16A40] =	vst v63  }
0x95: {  	_ =	swait.ge @!p1 [sflag:s5], $0x2000  }
0x96: {  	s28 =	sand.u32 $0x3E00, s23;
	[sflag:s5] =	ssyncset.done @!p1 $0x0  }
0x97: {  	s23 =	simm.s32 @!p1 $0xCA40;
	s0 =	simm.s32 @!p1 $0x2;
	[sflag:s5] =	ssyncadd.s32 @!p1 $0xFFFFE000  }
0x98: {  	[tilespmem:s23], [sflag:$0x4] =	stream.linear.gather @!p1 [spmem:s17], $0x2000, $0x38;
	[tilespmem:$0x16A40] =	vst v63  }
0x99: {  	_ =	swait.ge @!p1 [sflag:s0], $0x2000  }
0x9a: {  	[sflag:s0] =	ssyncset.done @!p1 $0x0  }
0x9b: {  	s19 =	smov.u32 s22;
	s8 =	sadd.s32 @!p1 $0x200, s4;
	[sflag:s0] =	ssyncadd.s32 @!p1 $0xFFFFE000  }
0x9c: {  	[tilespmem:s30], [sflag:$0xA] =	stream.indirect.gather.add.f32 @!p1 [hbm:s3], $0x40, s8, s29, $0xb8;
	[tilespmem:$0x16A40] =	vst v63  }
0x9d: {  	p3 =	seq.s32 s21, $0x0;
	p4 =	seq.s32 s21, $0x30000;
	s8 =	simm.s32 $0xF  }
0x9e: {  	s25 =	simm.s32 @!p1 $0x15;
	s6 =	simm.s32 @!p1 $0xEA40;
	_ =	swait.ge [sflag:s8], $0x2000  }
0x9f: {  	s7 =	sadd.s32 $0xFFFFFFFD, s20;
	s23 =	rddreg [dreg:$0x9];
	[sflag:s8] =	ssyncset.done $0x0  }
0xa0: {  	s30 =	simm.s32 $0x12A40;
	[sflag:s8] =	ssyncadd.s32 $0xFFFFE000;
	s5 =	sadd.s32 s15, s23  }
0xa1: {  	[hbm4b:s5+s24] =	stream.linear.scatter [tilespmem:s30], [sflag:$0x17], $0x2000, $0x38;
	[tilespmem:$0x16A40] =	vst v63  }
0xa2: {  	s26 =	sadd.s32 @!p1 $0x280, s4;
	s7 =	sshll.u32 s7, $0x7;
	_ =	swait.ge @!p1 [sflag:s25], $0x2000  }
0xa3: {  	s17 =	sadd.s32 $0xFFFFFF00, s14;
	s8 =	sadd.s32 $0xFFFFFFFF, s20;
	[sflag:s25] =	ssyncset.done @!p1 $0x0  }
0xa4: {  	s0 =	simm.s32 @!p1 $0x3;
	[sflag:s25] =	ssyncadd.s32 @!p1 $0xFFFFE000;
	s25 =	sshll.u32 @!p4 s8, $0x7  }
0xa5: {  	[tilespmem:s6], [sflag:$0x5] =	stream.linear.gather @!p1 [spmem:s16], $0x2000, $0x38;
	[tilespmem:$0x16A40] =	vst v63  }
0xa6: {  	s2 =	rddreg [dreg:$0x2];
	s16 =	sadd.s32 $0xFFFFFFFE, s20;
	_ =	swait.ge @!p1 [sflag:s0], $0x2000  }
0xa7: {  	s6 =	sadd.s32 s28, s2;
	s23 =	sshll.u32 @!p4 s16, $0x4;
	[sflag:s0] =	ssyncset.done @!p1 $0x0  }
0xa8: {  	s23 =	sand.u32 @!p4 $0x1FF0, s23;
	[sflag:s0] =	ssyncadd.s32 @!p1 $0xFFFFE000;
	s0 =	sshll.u32 @!p4 s8, $0x4  }
0xa9: {  	[tilespmem:s31], [sflag:$0xB] =	stream.indirect.gather.add.f32 @!p1 [hbm:s3], $0x40, s26, s29, $0xb8;
	[tilespmem:$0x16A40] =	vst v63  }
0xaa: {  	s8 =	sshll.u32 @!p4 s20, $0x4;
	s23 =	smul.u32 @!p4 $0x147B, s23;
	s0 =	sand.u32 @!p4 $0x1FF0, s0  }
0xab: {  	s28 =	simm.s32 $0x10;
	s8 =	sand.u32 @!p4 $0x1FF0, s8;
	s0 =	smul.u32 @!p4 $0x147B, s0  }
0xac: {  	s5 =	simm.s32 @!p3 $0x16;
	_ =	swait.ge [sflag:s28], $0x2000;
	s8 =	smul.u32 @!p4 $0x147B, s8  }
0xad: {  	s23 =	sshrl.u32 @!p4 s23, $0x11;
	s26 =	rddreg [dreg:$0x7];
	[sflag:s28] =	ssyncset.done $0x0  }
0xae: {  	s23 =	smul.u32 @!p4 $0xC8, s23;
	[sflag:s28] =	ssyncadd.s32 $0xFFFFE000;
	s0 =	sshrl.u32 @!p4 s0, $0x11  }
0xaf: {  	s28 =	sand.u32 $0xFF80, s7;
	s26 =	sadd.s32 s15, s26;
	s0 =	smul.u32 @!p4 $0xC8, s0  }
0xb0: {  	[hbm4b:s26+s24] =	stream.linear.scatter [tilespmem:s13], [sflag:$0x18], $0x2000, $0x38;
	[tilespmem:$0x16A40] =	vst v63  }
0xb1: {  	s16 =	sshll.u32 @!p4 s16, $0x7;
	p1 =	por p4, p4;
	s26 =	smul.u32 $0x147B, s28  }
0xb2: {  	s15 =	smov.u32 s21;
	s21 =	smov.u32 s19;
	_ =	swait.ge @!p3 [sflag:s5], $0x2000  }
0xb3: {  	[sflag:s5] =	ssyncset.done @!p3 $0x0;
	s0 =	ssub.s32 @!p4 s25, s0;
	s25 =	sshrl.u32 s26, $0x14  }
0xb4: {  	s26 =	simm.s32 $0x4;
	[sflag:s5] =	ssyncadd.s32 @!p3 $0xFFFFE000;
	s0 =	sshll.u32 @!p4 s0, $0x6  }
0xb5: {  	[tilespmem:s10], [sflag:$0x6] =	stream.linear.gather [spmem:s6], $0x2000, $0x38;
	[tilespmem:$0x16A40] =	vst v63  }
0xb6: {  	s5 =	smul.u32 $0xC8, s25;
	s25 =	simm.s32 $0x6A40;
	s6 =	ssub.s32 @!p4 s16, s23  }
0xb7: {  	s28 =	sand.u32 @!p4 $0x3E00, s0;
	s16 =	simm.s32 $0x9;
	_ =	swait.ge [sflag:s26], $0x2000  }
0xb8: {  	s0 =	ssub.s32 s7, s5;
	s5 =	sshll.u32 @!p4 s6, $0x6;
	s6 =	sshrl.u32 @!p4 s8, $0x11  }
0xb9: {  	s7 =	simm.s32 @!p3 $0x17;
	[sflag:s26] =	ssyncset.done $0x0;
	s5 =	sand.u32 @!p4 $0x3E00, s5  }
0xba: {  	s6 =	smul.u32 @!p4 $0xC8, s6;
	s0 =	sshll.u32 s0, $0x6;
	[sflag:s26] =	ssyncadd.s32 $0xFFFFE000  }
0xbb: {  	[tilespmem:s9], [sflag:$0xC] =	stream.indirect.gather.add.f32 [hbm:s3], $0x40, s17, s1, $0xb8;
	[tilespmem:$0x16A40] =	vst v63  }
0xbc: {  	s19 =	sadd.s32 @!p4 s5, s2;
	s5 =	sshll.u32 @!p4 s20, $0x7;
	_ =	swait.ge [sflag:s16], $0x2000  }
0xbd: {  	s26 =	sadd.s32 s18, s2;
	s17 =	rddreg [dreg:$0x4];
	[sflag:s16] =	ssyncset.done $0x0  }
0xbe: {  	s0 =	sand.u32 $0x3E00, s0;
	[sflag:s16] =	ssyncadd.s32 $0xFFFFE000;
	s23 =	sadd.s32 s15, s17  }
0xbf: {  	[hbm4b:s23+s24] =	stream.linear.scatter [tilespmem:s25], [sflag:$0x11], $0x2000, $0x38;
	[tilespmem:$0x16A40] =	vst v63  }
0xc0: {  	s5 =	ssub.s32 @!p1 s5, s6;
	s6 =	sadd.s32 @!p1 $0x580, s12;
	_ =	swait.ge @!p3 [sflag:s7], $0x2000  }
0xc1: {  	s0 =	sadd.s32 s0, s2;
	s5 =	sshll.u32 @!p1 s5, $0x6;
	[sflag:s7] =	ssyncset.done @!p3 $0x0  }
0xc2: {  	s5 =	sand.u32 @!p1 $0x3E00, s5;
	[sflag:s7] =	ssyncadd.s32 @!p3 $0xFFFFE000;
	s7 =	simm.s32 $0x5  }
0xc3: {  	[tilespmem:s30], [sflag:$0x7] =	stream.linear.gather [spmem:s26], $0x2000, $0x38;
	[tilespmem:$0x16A40] =	vst v63  }
0xc4: {  	s8 =	sand.u32 @!p1 $0xFFF8, s6;
	s18 =	sadd.s32 @!p1 s5, s2;
	_ =	swait.ge [sflag:s7], $0x2000  }
0xc5: {  	s5 =	sshrl.u32 @!p1 s8, $0x3;
	s16 =	sadd.s32 $0xFFFFFF80, s14;
	[sflag:s7] =	ssyncset.done $0x0  }
0xc6: {  	s17 =	simm.s32 $0xA;
	s5 =	smul.u32 @!p1 $0x147B, s5;
	[sflag:s7] =	ssyncadd.s32 $0xFFFFE000  }
0xc7: {  	[tilespmem:s11], [sflag:$0xD] =	stream.indirect.gather.add.f32 [hbm:s3], $0x40, s16, s1, $0xb8;
	[tilespmem:$0x16A40] =	vst v63  }
0xc8: {  	s8 =	sadd.s32 @!p1 $0x600, s12;
	s5 =	sshrl.u32 @!p1 s5, $0x11;
	_ =	swait.ge [sflag:s17], $0x2000  }
0xc9: {  	s26 =	simm.s32 $0x8A40;
	s23 =	rddreg [dreg:$0x6];
	[sflag:s17] =	ssyncset.done $0x0  }
0xca: {  	s16 =	simm.s32 @!p3 $0x18;
	[sflag:s17] =	ssyncadd.s32 $0xFFFFE000;
	s25 =	sadd.s32 s15, s23  }
0xcb: {  	[hbm4b:s25+s24] =	stream.linear.scatter [tilespmem:s26], [sflag:$0x12], $0x2000, $0x38;
	[tilespmem:$0x16A40] =	vst v63  }
0xcc: {  	s5 =	smul.u32 @!p1 $0xC8, s5;
	s7 =	sand.u32 @!p1 $0xFFF8, s8;
	_ =	swait.ge @!p3 [sflag:s16], $0x2000  }
0xcd: {  	s9 =	simm.s32 $0x6;
	s7 =	sshrl.u32 @!p1 s7, $0x3;
	[sflag:s16] =	ssyncset.done @!p3 $0x0  }
0xce: {  	s5 =	ssub.s32 @!p1 s6, s5;
	s6 =	smul.u32 @!p1 $0x147B, s7;
	[sflag:s16] =	ssyncadd.s32 @!p3 $0xFFFFE000  }
0xcf: {  	[tilespmem:s13], [sflag:$0x8] =	stream.linear.gather [spmem:s0], $0x2000, $0x38;
	[tilespmem:$0x16A40] =	vst v63  }
0xd0: {  	s5 =	sshll.u32 @!p1 s5, $0x6;
	_ =	swait.ge [sflag:s9], $0x2000  }
0xd1: {  	s5 =	sand.u32 @!p1 $0x3FC0, s5;
	s6 =	sshrl.u32 @!p1 s6, $0x11;
	[sflag:s9] =	ssyncset.done $0x0  }
0xd2: {  	s17 =	sadd.s32 @!p1 s5, s2;
	s5 =	smul.u32 @!p1 $0xC8, s6;
	[sflag:s9] =	ssyncadd.s32 $0xFFFFE000  }
0xd3: {  	[tilespmem:s10], [sflag:$0xE] =	stream.indirect.gather.add.f32 [hbm:s3], $0x40, s14, s1, $0xb8;
	[tilespmem:$0x16A40] =	vst v63  }
0xd4: {  	s7 =	simm.s32 @!p1 $0x11;
	s0 =	ssub.s32 @!p1 s8, s5;
	s10 =	simm.s32 $0xB  }
0xd5: {  	s13 =	simm.s32 $0xAA40;
	s0 =	sshll.u32 @!p1 s0, $0x6;
	_ =	swait.ge [sflag:s10], $0x2000  }
0xd6: {  	s0 =	sand.u32 @!p1 $0x3FC0, s0;
	s11 =	rddreg [dreg:$0x5];
	[sflag:s10] =	ssyncset.done $0x0  }
0xd7: {  	s16 =	sadd.s32 @!p1 s0, s2;
	[sflag:s10] =	ssyncadd.s32 $0xFFFFE000;
	s0 =	sadd.s32 s15, s11  }
0xd8: {  	[hbm4b:s0+s24] =	stream.linear.scatter [tilespmem:s13], [sflag:$0x13], $0x2000, $0x38;
	[tilespmem:$0x16A40] =	vst v63  }
0xd9: {  	_ =	swait.ge @!p1 [sflag:s7], $0x2000  }
0xda: {  	[sflag:s7] =	ssyncset.done @!p1 $0x0  }
0xdb: {  	s20 =	sadd.s32 $0x8, s20;
	s26 =	simm.s32 @!p1 $0x6A40;
	[sflag:s7] =	ssyncadd.s32 @!p1 $0xFFFFE000  }
0xdc: {  	[tilespmem:s26], [sflag:$0x1] =	stream.linear.gather @!p1 [spmem:s19], $0x2000, $0x38;
	[tilespmem:$0x16A40] =	vst v63  }
0xdd: {  	s22 =	sadd.s32 $0x2000, s22;
	s19 =	sadd.s32 $0xFFFFFFFB, s20  }
0xde: {  	s23 =	simm.s32 $0x7;
	s0 =	sadd.s32 @!p1 s28, s2;
	s28 =	sshll.u32 s19, $0x7  }
0xdf: {  	p2 =	sne.s32 s22, $0x32000;
	_ =	swait.ge [sflag:s23], $0x2000;
	s5 =	sand.u32 $0xFF80, s28  }
0xe0: {  	s4 =	smov.u32 s14;
	[sflag:s23] =	ssyncset.done $0x0;
	s5 =	smul.u32 $0x147B, s5  }
.Ltmp0:
0xe1: {  	s25 =	sadd.s32 $0x80, s14;
	[sflag:s23] =	ssyncadd.s32 $0xFFFFE000;
	(pc) =	sbr.rel @p2 .LBB2_2-.Ltmp0, $4  }
0xe2: {  	[tilespmem:s30], [sflag:$0xF] =	stream.indirect.gather.add.f32 [hbm:s3], $0x40, s25, s1, $0xb8;
	[tilespmem:$0x16A40] =	vst v63  }
0xe3: {  	s31 =	simm.s32 $0x8;
	s12 =	sadd.s32 $0x400, s12;
	s30 =	simm.s32 $0xC  }
0xe4: {  	s14 =	sadd.s32 $0x400, s14;
	_ =	swait.ge [sflag:s30], $0x2000;
	s5 =	sshrl.u32 s5, $0x14  }
0xe5: {  	s19 =	rddreg [dreg:$0xa];
	s29 =	smul.u32 $0xC8, s5;
	[sflag:s30] =	ssyncset.done $0x0  }
0xe6: {  	s13 =	simm.s32 $0xC;
	s5 =	sadd.s32 s15, s19;
	s6 =	simm.s32 @!p1 $0x12  }
0xe7: {  	s8 =	simm.s32 $0xCA40;
	s2 =	simm.s32 $0x0;
	[sflag:s13] =	ssyncadd.s32 $0xFFFFE000  }
0xe8: {  	[hbm4b:s5+s2] =	stream.linear.scatter [tilespmem:s8], [sflag:$0x14], $0x2000, $0x38;
	[tilespmem:$0x16A40] =	vst v63  }
0xe9: {  	_ =	swait.ge @!p1 [sflag:s6], $0x2000  }
0xea: {  	[sflag:s6] =	ssyncset.done @!p1 $0x0  }
0xeb: {  	s5 =	simm.s32 @!p1 $0x8A40;
	[sflag:s6] =	ssyncadd.s32 @!p1 $0xFFFFE000  }
0xec: {  	[tilespmem:s5], [sflag:$0x2] =	stream.linear.gather @!p1 [spmem:s0], $0x2000, $0x38;
	[tilespmem:$0x16A40] =	vst v63  }
0xed: {  	_ =	swait.ge [sflag:s31], $0x2000  }
0xee: {  	s10 =	sadd.s32 $0x100, s4;
	s19 =	simm.s32 $0x14A40;
	[sflag:s31] =	ssyncset.done $0x0  }
0xef: {  	s1 =	simm.s32 $0x80;
	s22 =	simm.s32 $0xD;
	[sflag:s31] =	ssyncadd.s32 $0xFFFFE000  }
0xf0: {  	[tilespmem:s19], [sflag:$0x10] =	stream.indirect.gather.add.f32 [hbm:s3], $0x40, s10, s1, $0xb8;
	[tilespmem:$0x16A40] =	vst v63  }
0xf1: {  	_ =	swait.ge [sflag:s22], $0x2000  }
0xf2: {  	s9 =	simm.s32 $0xEA40;
	s11 =	rddreg [dreg:$0x8];
	[sflag:s22] =	ssyncset.done $0x0  }
0xf3: {  	s6 =	simm.s32 @!p1 $0x13;
	[sflag:s22] =	ssyncadd.s32 $0xFFFFE000;
	s0 =	sadd.s32 s15, s11  }
0xf4: {  	[hbm4b:s0+s2] =	stream.linear.scatter [tilespmem:s9], [sflag:$0x15], $0x2000, $0x38;
	[tilespmem:$0x16A40] =	vst v63  }
0xf5: {  	_ =	swait.ge @!p1 [sflag:s6], $0x2000  }
0xf6: {  	[sflag:s6] =	ssyncset.done @!p1 $0x0  }
0xf7: {  	s0 =	simm.s32 @!p1 $0x1;
	[sflag:s6] =	ssyncadd.s32 @!p1 $0xFFFFE000;
	s6 =	simm.s32 @!p1 $0xAA40  }
0xf8: {  	[tilespmem:s6], [sflag:$0x3] =	stream.linear.gather @!p1 [spmem:s18], $0x2000, $0x38;
	[tilespmem:$0x16A40] =	vst v63  }
0xf9: {  	_ =	swait.ge @!p1 [sflag:s0], $0x2000  }
0xfa: {  	s7 =	sadd.s32 @!p1 $0x180, s4;
	[sflag:s0] =	ssyncset.done @!p1 $0x0  }
0xfb: {  	s18 =	simm.s32 $0xE;
	[sflag:s0] =	ssyncadd.s32 @!p1 $0xFFFFE000;
	s0 =	simm.s32 @!p1 $0x80  }
0xfc: {  	[tilespmem:s26], [sflag:$0x9] =	stream.indirect.gather.add.f32 @!p1 [hbm:s3], $0x40, s7, s0, $0xb8;
	[tilespmem:$0x16A40] =	vst v63  }
0xfd: {  	_ =	swait.ge [sflag:s18], $0x2000  }
0xfe: {  	s23 =	rddreg [dreg:$0xb];
	[sflag:s18] =	ssyncset.done $0x0  }
0xff: {  	s10 =	simm.s32 $0x10A40;
	[sflag:s18] =	ssyncadd.s32 $0xFFFFE000;
	s7 =	sadd.s32 s15, s23  }
0x100: {  	[hbm4b:s7+s2] =	stream.linear.scatter [tilespmem:s10], [sflag:$0x16], $0x2000, $0x38;
	[tilespmem:$0x16A40] =	vst v63  }
0x101: {  	s7 =	simm.s32 @!p1 $0x14  }
0x102: {  	_ =	swait.ge @!p1 [sflag:s7], $0x2000  }
0x103: {  	[sflag:s7] =	ssyncset.done @!p1 $0x0  }
0x104: {  	[sflag:s7] =	ssyncadd.s32 @!p1 $0xFFFFE000;
	s7 =	simm.s32 @!p1 $0xCA40  }
0x105: {  	[tilespmem:s7], [sflag:$0x4] =	stream.linear.gather @!p1 [spmem:s17], $0x2000, $0x38;
	[tilespmem:$0x16A40] =	vst v63  }
0x106: {  	s7 =	simm.s32 @!p1 $0x2  }
0x107: {  	_ =	swait.ge @!p1 [sflag:s7], $0x2000  }
0x108: {  	[sflag:s7] =	ssyncset.done @!p1 $0x0  }
0x109: {  	s17 =	simm.s32 $0xF;
	[sflag:s7] =	ssyncadd.s32 @!p1 $0xFFFFE000;
	s7 =	sadd.s32 @!p1 $0x200, s4  }
0x10a: {  	[tilespmem:s5], [sflag:$0xA] =	stream.indirect.gather.add.f32 @!p1 [hbm:s3], $0x40, s7, s0, $0xb8;
	[tilespmem:$0x16A40] =	vst v63  }
0x10b: {  	_ =	swait.ge [sflag:s17], $0x2000  }
0x10c: {  	s25 =	rddreg [dreg:$0x9];
	[sflag:s17] =	ssyncset.done $0x0  }
0x10d: {  	s11 =	simm.s32 $0x12A40;
	[sflag:s17] =	ssyncadd.s32 $0xFFFFE000;
	s5 =	sadd.s32 s15, s25  }
0x10e: {  	[hbm4b:s5+s2] =	stream.linear.scatter [tilespmem:s11], [sflag:$0x17], $0x2000, $0x38;
	[tilespmem:$0x16A40] =	vst v63  }
0x10f: {  	s5 =	simm.s32 @!p1 $0x15  }
0x110: {  	_ =	swait.ge @!p1 [sflag:s5], $0x2000  }
0x111: {  	[sflag:s5] =	ssyncset.done @!p1 $0x0  }
0x112: {  	[sflag:s5] =	ssyncadd.s32 @!p1 $0xFFFFE000;
	s5 =	simm.s32 @!p1 $0xEA40  }
0x113: {  	[tilespmem:s5], [sflag:$0x5] =	stream.linear.gather @!p1 [spmem:s16], $0x2000, $0x38;
	[tilespmem:$0x16A40] =	vst v63  }
0x114: {  	s5 =	simm.s32 @!p1 $0x3  }
0x115: {  	_ =	swait.ge @!p1 [sflag:s5], $0x2000  }
0x116: {  	[sflag:s5] =	ssyncset.done @!p1 $0x0  }
0x117: {  	s4 =	sadd.s32 @!p1 $0x280, s4;
	s16 =	simm.s32 $0x10;
	[sflag:s5] =	ssyncadd.s32 @!p1 $0xFFFFE000  }
0x118: {  	[tilespmem:s6], [sflag:$0xB] =	stream.indirect.gather.add.f32 @!p1 [hbm:s3], $0x40, s4, s0, $0xb8;
	[tilespmem:$0x16A40] =	vst v63  }
0x119: {  	_ =	swait.ge [sflag:s16], $0x2000  }
0x11a: {  	p1 =	seq.s32 s21, $0x0;
	s26 =	rddreg [dreg:$0x7];
	[sflag:s16] =	ssyncset.done $0x0  }
0x11b: {  	s5 =	simm.s32 @!p1 $0x16;
	[sflag:s16] =	ssyncadd.s32 $0xFFFFE000;
	s0 =	sadd.s32 s15, s26  }
0x11c: {  	[hbm4b:s0+s2] =	stream.linear.scatter [tilespmem:s19], [sflag:$0x18], $0x2000, $0x38;
	[tilespmem:$0x16A40] =	vst v63  }
0x11d: {  	s30 =	ssub.s32 s28, s29;
	s23 =	simm.s32 $0x4;
	_ =	swait.ge @!p1 [sflag:s5], $0x2000  }
0x11e: {  	s4 =	sshll.u32 s30, $0x6;
	s6 =	sadd.s32 $0xFFFFFFFC, s20;
	[sflag:s5] =	ssyncset.done @!p1 $0x0  }
0x11f: {  	s7 =	sshll.u32 s6, $0x7;
	s0 =	sand.u32 $0x3E00, s4;
	s15 =	rddreg [dreg:$0x2]  }
0x120: {  	s4 =	sand.u32 $0xFF80, s7;
	[sflag:s5] =	ssyncadd.s32 @!p1 $0xFFFFE000;
	s0 =	sadd.s32 s0, s15  }
0x121: {  	[tilespmem:s10], [sflag:$0x6] =	stream.linear.gather [spmem:s0], $0x2000, $0x38;
	[tilespmem:$0x16A40] =	vst v63  }
0x122: {  	s4 =	smul.u32 $0x147B, s4;
	_ =	swait.ge [sflag:s23], $0x2000  }
0x123: {  	s25 =	sadd.s32 $0xFFFFFF00, s14;
	s30 =	simm.s32 $0x6A40;
	[sflag:s23] =	ssyncset.done $0x0  }
0x124: {  	s26 =	simm.s32 $0x9;
	s4 =	sshrl.u32 s4, $0x14;
	[sflag:s23] =	ssyncadd.s32 $0xFFFFE000  }
0x125: {  	[tilespmem:s8], [sflag:$0xC] =	stream.indirect.gather.add.f32 [hbm:s3], $0x40, s25, s1, $0xb8;
	[tilespmem:$0x16A40] =	vst v63  }
0x126: {  	s6 =	sadd.s32 $0xFFFFFFFD, s20;
	s4 =	smul.u32 $0xC8, s4;
	_ =	swait.ge [sflag:s26], $0x2000  }
0x127: {  	s5 =	simm.s32 @!p1 $0x17;
	s28 =	rddreg [dreg:$0x4];
	[sflag:s26] =	ssyncset.done $0x0  }
0x128: {  	s0 =	ssub.s32 s7, s4;
	[sflag:s26] =	ssyncadd.s32 $0xFFFFE000;
	s29 =	sadd.s32 s21, s28  }
0x129: {  	[hbm4b:s29+s2] =	stream.linear.scatter [tilespmem:s30], [sflag:$0x11], $0x2000, $0x38;
	[tilespmem:$0x16A40] =	vst v63  }
0x12a: {  	s7 =	sshll.u32 s6, $0x7;
	s0 =	sshll.u32 s0, $0x6;
	_ =	swait.ge @!p1 [sflag:s5], $0x2000  }
0x12b: {  	s4 =	sand.u32 $0xFF80, s7;
	s0 =	sand.u32 $0x3E00, s0;
	[sflag:s5] =	ssyncset.done @!p1 $0x0  }
0x12c: {  	s23 =	simm.s32 $0x5;
	s0 =	sadd.s32 s0, s15;
	[sflag:s5] =	ssyncadd.s32 @!p1 $0xFFFFE000  }
0x12d: {  	[tilespmem:s11], [sflag:$0x7] =	stream.linear.gather [spmem:s0], $0x2000, $0x38;
	[tilespmem:$0x16A40] =	vst v63  }
0x12e: {  	s4 =	smul.u32 $0x147B, s4;
	_ =	swait.ge [sflag:s23], $0x2000  }
0x12f: {  	s25 =	sadd.s32 $0xFFFFFF80, s14;
	[sflag:s23] =	ssyncset.done $0x0  }
0x130: {  	s4 =	sshrl.u32 s4, $0x14;
	s26 =	simm.s32 $0xA;
	[sflag:s23] =	ssyncadd.s32 $0xFFFFE000  }
0x131: {  	[tilespmem:s9], [sflag:$0xD] =	stream.indirect.gather.add.f32 [hbm:s3], $0x40, s25, s1, $0xb8;
	[tilespmem:$0x16A40] =	vst v63  }
0x132: {  	s4 =	smul.u32 $0xC8, s4;
	s30 =	simm.s32 $0x8A40;
	_ =	swait.ge [sflag:s26], $0x2000  }
0x133: {  	s5 =	simm.s32 @!p1 $0x18;
	s28 =	rddreg [dreg:$0x6];
	[sflag:s26] =	ssyncset.done $0x0  }
0x134: {  	s0 =	ssub.s32 s7, s4;
	[sflag:s26] =	ssyncadd.s32 $0xFFFFE000;
	s29 =	sadd.s32 s21, s28  }
0x135: {  	[hbm4b:s29+s2] =	stream.linear.scatter [tilespmem:s30], [sflag:$0x12], $0x2000, $0x38;
	[tilespmem:$0x16A40] =	vst v63  }
0x136: {  	p2 =	seq.s32 s21, $0x30000;
	s0 =	sshll.u32 s0, $0x6;
	_ =	swait.ge @!p1 [sflag:s5], $0x2000  }
0x137: {  	s6 =	simm.s32 $0x6;
	s0 =	sand.u32 $0x3E00, s0;
	[sflag:s5] =	ssyncset.done @!p1 $0x0  }
0x138: {  	s4 =	sadd.s32 $0xFFFFFFFE, s20;
	s0 =	sadd.s32 s0, s15;
	[sflag:s5] =	ssyncadd.s32 @!p1 $0xFFFFE000  }
0x139: {  	[tilespmem:s19], [sflag:$0x8] =	stream.linear.gather [spmem:s0], $0x2000, $0x38;
	[tilespmem:$0x16A40] =	vst v63  }
0x13a: {  	s0 =	sshll.u32 @!p2 s4, $0x4;
	_ =	swait.ge [sflag:s6], $0x2000  }
0x13b: {  	s0 =	sand.u32 @!p2 $0x1FF0, s0;
	[sflag:s6] =	ssyncset.done $0x0  }
0x13c: {  	s0 =	smul.u32 @!p2 $0x147B, s0;
	[sflag:s6] =	ssyncadd.s32 $0xFFFFE000  }
0x13d: {  	[tilespmem:s10], [sflag:$0xE] =	stream.indirect.gather.add.f32 [hbm:s3], $0x40, s14, s1, $0xb8;
	[tilespmem:$0x16A40] =	vst v63  }
0x13e: {  	s0 =	sshrl.u32 @!p2 s0, $0x11  }
0x13f: {  	s7 =	simm.s32 $0xB;
	s25 =	simm.s32 $0xAA40;
	s0 =	smul.u32 @!p2 $0xC8, s0  }
0x140: {  	p1 =	por p2, p2;
	s4 =	sshll.u32 @!p2 s4, $0x7;
	_ =	swait.ge [sflag:s7], $0x2000  }
0x141: {  	s23 =	rddreg [dreg:$0x5];
	[sflag:s7] =	ssyncset.done $0x0;
	s0 =	ssub.s32 @!p2 s4, s0  }
0x142: {  	s4 =	simm.s32 @!p1 $0x11;
	[sflag:s7] =	ssyncadd.s32 $0xFFFFE000;
	s5 =	sadd.s32 s21, s23  }
0x143: {  	[hbm4b:s5+s2] =	stream.linear.scatter [tilespmem:s25], [sflag:$0x13], $0x2000, $0x38;
	[tilespmem:$0x16A40] =	vst v63  }
0x144: {  	s26 =	simm.s32 $0x7;
	s0 =	sshll.u32 @!p2 s0, $0x6;
	_ =	swait.ge @!p1 [sflag:s4], $0x2000  }
0x145: {  	s5 =	sadd.s32 $0xFFFFFFFF, s20;
	s0 =	sand.u32 @!p2 $0x3E00, s0;
	[sflag:s4] =	ssyncset.done @!p1 $0x0  }
0x146: {  	s0 =	sadd.s32 @!p2 s0, s15;
	[sflag:s4] =	ssyncadd.s32 @!p1 $0xFFFFE000;
	s4 =	simm.s32 @!p1 $0x6A40  }
0x147: {  	[tilespmem:s4], [sflag:$0x1] =	stream.linear.gather @!p1 [spmem:s0], $0x2000, $0x38;
	[tilespmem:$0x16A40] =	vst v63  }
0x148: {  	s0 =	sshll.u32 @!p2 s5, $0x4;
	_ =	swait.ge [sflag:s26], $0x2000  }
0x149: {  	s0 =	sand.u32 @!p2 $0x1FF0, s0;
	[sflag:s26] =	ssyncset.done $0x0  }
0x14a: {  	s28 =	sadd.s32 $0x80, s14;
	s0 =	smul.u32 @!p2 $0x147B, s0;
	[sflag:s26] =	ssyncadd.s32 $0xFFFFE000  }
0x14b: {  	[tilespmem:s11], [sflag:$0xF] =	stream.indirect.gather.add.f32 [hbm:s3], $0x40, s28, s1, $0xb8;
	[tilespmem:$0x16A40] =	vst v63  }
0x14c: {  	s0 =	sshrl.u32 @!p2 s0, $0x11  }
0x14d: {  	s6 =	simm.s32 @!p1 $0x12;
	_ =	swait.ge [sflag:s13], $0x2000;
	s0 =	smul.u32 @!p2 $0xC8, s0  }
0x14e: {  	s5 =	sshll.u32 @!p2 s5, $0x7;
	s29 =	rddreg [dreg:$0xa];
	[sflag:s13] =	ssyncset.done $0x0  }
0x14f: {  	s0 =	ssub.s32 @!p2 s5, s0;
	[sflag:s13] =	ssyncadd.s32 $0xFFFFE000;
	s30 =	sadd.s32 s21, s29  }
0x150: {  	[hbm4b:s30+s2] =	stream.linear.scatter [tilespmem:s8], [sflag:$0x14], $0x2000, $0x38;
	[tilespmem:$0x16A40] =	vst v63  }
0x151: {  	s5 =	sshll.u32 @!p2 s20, $0x4;
	s0 =	sshll.u32 @!p2 s0, $0x6;
	_ =	swait.ge @!p1 [sflag:s6], $0x2000  }
0x152: {  	s5 =	sand.u32 @!p2 $0x1FF0, s5;
	s0 =	sand.u32 @!p2 $0x3E00, s0;
	[sflag:s6] =	ssyncset.done @!p1 $0x0  }
0x153: {  	s0 =	sadd.s32 @!p1 s0, s15;
	[sflag:s6] =	ssyncadd.s32 @!p1 $0xFFFFE000;
	s6 =	simm.s32 @!p1 $0x8A40  }
0x154: {  	[tilespmem:s6], [sflag:$0x2] =	stream.linear.gather @!p1 [spmem:s0], $0x2000, $0x38;
	[tilespmem:$0x16A40] =	vst v63  }
0x155: {  	s0 =	smul.u32 @!p2 $0x147B, s5  }
0x156: {  	_ =	swait.ge [sflag:s31], $0x2000  }
0x157: {  	[sflag:s31] =	ssyncset.done $0x0;
	s0 =	sshrl.u32 @!p2 s0, $0x11  }
0x158: {  	s7 =	sadd.s32 $0x100, s14;
	[sflag:s31] =	ssyncadd.s32 $0xFFFFE000;
	s0 =	smul.u32 @!p2 $0xC8, s0  }
0x159: {  	[tilespmem:s19], [sflag:$0x10] =	stream.indirect.gather.add.f32 [hbm:s3], $0x40, s7, s1, $0xb8;
	[tilespmem:$0x16A40] =	vst v63  }
0x15a: {  	s5 =	sshll.u32 @!p2 s20, $0x7;
	_ =	swait.ge [sflag:s22], $0x2000  }
0x15b: {  	s0 =	ssub.s32 @!p1 s5, s0;
	s8 =	rddreg [dreg:$0x8];
	[sflag:s22] =	ssyncset.done $0x0  }
0x15c: {  	s5 =	simm.s32 @!p1 $0x13;
	[sflag:s22] =	ssyncadd.s32 $0xFFFFE000;
	s7 =	sadd.s32 s21, s8  }
0x15d: {  	[hbm4b:s7+s2] =	stream.linear.scatter [tilespmem:s9], [sflag:$0x15], $0x2000, $0x38;
	[tilespmem:$0x16A40] =	vst v63  }
0x15e: {  	s0 =	sshll.u32 @!p1 s0, $0x6;
	_ =	swait.ge @!p1 [sflag:s5], $0x2000  }
0x15f: {  	s0 =	sand.u32 @!p1 $0x3E00, s0;
	s8 =	simm.s32 @!p1 $0x1;
	[sflag:s5] =	ssyncset.done @!p1 $0x0  }
0x160: {  	s7 =	sadd.s32 @!p1 s0, s15;
	s0 =	simm.s32 @!p1 $0xAA40;
	[sflag:s5] =	ssyncadd.s32 @!p1 $0xFFFFE000  }
0x161: {  	[tilespmem:s0], [sflag:$0x3] =	stream.linear.gather @!p1 [spmem:s7], $0x2000, $0x38;
	[tilespmem:$0x16A40] =	vst v63  }
0x162: {  	_ =	swait.ge @!p1 [sflag:s8], $0x2000  }
0x163: {  	s5 =	sadd.s32 @!p1 $0x580, s12;
	[sflag:s8] =	ssyncset.done @!p1 $0x0  }
0x164: {  	s7 =	sadd.s32 @!p1 $0x180, s14;
	[sflag:s8] =	ssyncadd.s32 @!p1 $0xFFFFE000;
	s8 =	simm.s32 @!p1 $0x80  }
0x165: {  	[tilespmem:s4], [sflag:$0x9] =	stream.indirect.gather.add.f32 @!p1 [hbm:s3], $0x40, s7, s8, $0xb8;
	[tilespmem:$0x16A40] =	vst v63  }
0x166: {  	s4 =	sand.u32 @!p1 $0xFFF8, s5  }
0x167: {  	s4 =	sshrl.u32 @!p1 s4, $0x3  }
0x168: {  	s4 =	smul.u32 @!p1 $0x147B, s4  }
0x169: {  	_ =	swait.ge [sflag:s18], $0x2000  }
0x16a: {  	s9 =	rddreg [dreg:$0xb];
	[sflag:s18] =	ssyncset.done $0x0;
	s4 =	sshrl.u32 @!p1 s4, $0x11  }
0x16b: {  	[sflag:s18] =	ssyncadd.s32 $0xFFFFE000;
	s7 =	sadd.s32 s21, s9;
	s4 =	smul.u32 @!p1 $0xC8, s4  }
0x16c: {  	[hbm4b:s7+s2] =	stream.linear.scatter [tilespmem:s10], [sflag:$0x16], $0x2000, $0x38;
	[tilespmem:$0x16A40] =	vst v63  }
0x16d: {  	s4 =	ssub.s32 @!p1 s5, s4;
	s5 =	simm.s32 @!p1 $0x14  }
0x16e: {  	s4 =	sshll.u32 @!p1 s4, $0x6;
	_ =	swait.ge @!p1 [sflag:s5], $0x2000  }
0x16f: {  	s4 =	sand.u32 @!p1 $0x3FC0, s4;
	[sflag:s5] =	ssyncset.done @!p1 $0x0  }
0x170: {  	s4 =	sadd.s32 @!p1 s4, s15;
	[sflag:s5] =	ssyncadd.s32 @!p1 $0xFFFFE000;
	s5 =	simm.s32 @!p1 $0xCA40  }
0x171: {  	[tilespmem:s5], [sflag:$0x4] =	stream.linear.gather @!p1 [spmem:s4], $0x2000, $0x38;
	[tilespmem:$0x16A40] =	vst v63  }
0x172: {  	s4 =	simm.s32 @!p1 $0x2  }
0x173: {  	_ =	swait.ge @!p1 [sflag:s4], $0x2000  }
0x174: {  	[sflag:s4] =	ssyncset.done @!p1 $0x0  }
0x175: {  	s5 =	sadd.s32 @!p1 $0x600, s12;
	[sflag:s4] =	ssyncadd.s32 @!p1 $0xFFFFE000;
	s4 =	sadd.s32 @!p1 $0x200, s14  }
0x176: {  	[tilespmem:s6], [sflag:$0xA] =	stream.indirect.gather.add.f32 @!p1 [hbm:s3], $0x40, s4, s8, $0xb8;
	[tilespmem:$0x16A40] =	vst v63  }
0x177: {  	s4 =	sand.u32 @!p1 $0xFFF8, s5  }
0x178: {  	s4 =	sshrl.u32 @!p1 s4, $0x3  }
0x179: {  	s4 =	smul.u32 @!p1 $0x147B, s4  }
0x17a: {  	_ =	swait.ge [sflag:s17], $0x2000  }
0x17b: {  	s13 =	rddreg [dreg:$0x9];
	[sflag:s17] =	ssyncset.done $0x0;
	s4 =	sshrl.u32 @!p1 s4, $0x11  }
0x17c: {  	[sflag:s17] =	ssyncadd.s32 $0xFFFFE000;
	s6 =	sadd.s32 s21, s13;
	s4 =	smul.u32 @!p1 $0xC8, s4  }
0x17d: {  	[hbm4b:s6+s2] =	stream.linear.scatter [tilespmem:s11], [sflag:$0x17], $0x2000, $0x38;
	[tilespmem:$0x16A40] =	vst v63  }
0x17e: {  	s4 =	ssub.s32 @!p1 s5, s4;
	s5 =	simm.s32 @!p1 $0x15  }
0x17f: {  	s4 =	sshll.u32 @!p1 s4, $0x6;
	_ =	swait.ge @!p1 [sflag:s5], $0x2000  }
0x180: {  	s4 =	sand.u32 @!p1 $0x3FC0, s4;
	[sflag:s5] =	ssyncset.done @!p1 $0x0  }
0x181: {  	s4 =	sadd.s32 @!p1 s4, s15;
	[sflag:s5] =	ssyncadd.s32 @!p1 $0xFFFFE000;
	s5 =	simm.s32 @!p1 $0xEA40  }
0x182: {  	[tilespmem:s5], [sflag:$0x5] =	stream.linear.gather @!p1 [spmem:s4], $0x2000, $0x38;
	[tilespmem:$0x16A40] =	vst v63  }
0x183: {  	s4 =	simm.s32 @!p1 $0x3  }
0x184: {  	_ =	swait.ge @!p1 [sflag:s4], $0x2000  }
0x185: {  	[sflag:s4] =	ssyncset.done @!p1 $0x0  }
0x186: {  	[sflag:s4] =	ssyncadd.s32 @!p1 $0xFFFFE000;
	s4 =	sadd.s32 @!p1 $0x280, s14  }
0x187: {  	[tilespmem:s0], [sflag:$0xB] =	stream.indirect.gather.add.f32 @!p1 [hbm:s3], $0x40, s4, s8, $0xb8;
	[tilespmem:$0x16A40] =	vst v63  }
0x188: {  	_ =	swait.ge [sflag:s16], $0x2000  }
0x189: {  	s18 =	rddreg [dreg:$0x7];
	[sflag:s16] =	ssyncset.done $0x0  }
0x18a: {  	s0 =	sadd.s32 s21, s18;
	[sflag:s16] =	ssyncadd.s32 $0xFFFFE000  }
0x18b: {  	[hbm4b:s0+s2] =	stream.linear.scatter [tilespmem:s19], [sflag:$0x18], $0x2000, $0x38;
	[tilespmem:$0x16A40] =	vst v63  }
0x18c: {  	s19 =	simm.s32 $0x11  }
0x18d: {  	_ =	swait.ge [sflag:s19], $0x2000  }
0x18e: {  	[sflag:s19] =	ssyncset.done $0x0  }
0x18f: {  	s20 =	simm.s32 $0x12;
	[sflag:s19] =	ssyncadd.s32 $0xFFFFE000  }
0x190: {  	_ =	swait.ge [sflag:s20], $0x2000  }
0x191: {  	[sflag:s20] =	ssyncset.done $0x0  }
0x192: {  	s21 =	simm.s32 $0x13;
	[sflag:s20] =	ssyncadd.s32 $0xFFFFE000  }
0x193: {  	_ =	swait.ge [sflag:s21], $0x2000  }
0x194: {  	[sflag:s21] =	ssyncset.done $0x0  }
0x195: {  	s22 =	simm.s32 $0x14;
	[sflag:s21] =	ssyncadd.s32 $0xFFFFE000  }
0x196: {  	_ =	swait.ge [sflag:s22], $0x2000  }
0x197: {  	[sflag:s22] =	ssyncset.done $0x0  }
0x198: {  	s23 =	simm.s32 $0x15;
	[sflag:s22] =	ssyncadd.s32 $0xFFFFE000  }
0x199: {  	_ =	swait.ge [sflag:s23], $0x2000  }
0x19a: {  	[sflag:s23] =	ssyncset.done $0x0  }
0x19b: {  	s25 =	simm.s32 $0x16;
	[sflag:s23] =	ssyncadd.s32 $0xFFFFE000  }
0x19c: {  	_ =	swait.ge [sflag:s25], $0x2000  }
0x19d: {  	[sflag:s25] =	ssyncset.done $0x0  }
0x19e: {  	s26 =	simm.s32 $0x17;
	[sflag:s25] =	ssyncadd.s32 $0xFFFFE000  }
0x19f: {  	_ =	swait.ge [sflag:s26], $0x2000  }
0x1a0: {  	[sflag:s26] =	ssyncset.done $0x0  }
0x1a1: {  	s28 =	simm.s32 $0x18;
	[sflag:s26] =	ssyncadd.s32 $0xFFFFE000  }
0x1a2: {  	_ =	swait.ge [sflag:s28], $0x2000  }
0x1a3: {  	s29 =	rddreg [dreg:$0x15]  }
0x1a4: {  	s30 =	rddreg [dreg:$0x12];
	s2 =	sadd.s32 $0x1, s29  }
0x1a5: {  	p1 =	sne.s32 s2, s30  }
.Ltmp1:
0x1a6: {  	_ = 	snop;
	(pc) =	sbr.rel @p1 .LBB2_1-.Ltmp1, $3  }
0x1a7: {  	_ =	sdelay $0x1  }
0x1a8: {  	[sflag:s28] =	ssyncset.done $0x0  }
0x1a9: {  	s13 =	simm.s32 $0x14A40;
	[sflag:s28] =	ssyncadd.s32 $0xFFFFE000  }
0x1aa: {  	_ =	sfence.sel $0x180000  }
0x1ab: {  	[bflag:$0x0] =	sbarrier.arrive $0xFFFF  }
0x1ac: {  	_ =	strace $0x90000047  }
0x1ad: {  	[bflag:$0x2] =	sbarrier.arrive $0xFFFF  }
0x1ae: {  	s0 =	rddreg [dreg:$0x3]  }
0x1af: {  	s0 =	sadd.s32 @!p0 $0x100000, s0  }
0x1b0: {  	[sflag:s0] =	ssyncadd.tile.s32 @!p0 $0x1;
	_ =	shalt  }
.Lfunc_end2:
_tile_overlayer_lowered:
.L_overlay_start_2:
0x1b1: {  	(tag) =	ssettag $0x2  }
0x1b2: {  	s0 =	rddreg [dreg:$0x0];
	s2 =	stileid.u32  }
0x1b3: {  	s1 =	rddreg [dreg:$0x1];
	p0 =	sne.s32 s2, $0x0  }
0x1b4: {  	s3 =	rddreg [dreg:$0x2];
	[bflag:$0x3] =	sbarrier.arrive $0xFFFF;
	s2 =	simm.s32 @!p0 $0x1C19  }
0x1b5: {  	[timem:s3], [sflag:s2] =	dma.local @!p0 [hbm:s0], s1  }
0x1b6: {  	s0 =	simm.s32 @!p0 $0x19  }
0x1b7: {  	_ =	swait.ge @!p0 [sflag:s0], s1  }
0x1b8: {  	s1 =	ssub.s32 @!p0 $0x0, s1;
	[sflag:s0] =	ssyncset.done @!p0 $0x0  }
0x1b9: {  	[sflag:s0] =	ssyncadd.s32 @!p0 s1  }
0x1ba: {  	[bflag:$0x3] =	sbarrier.arrive $0xFFFF  }
0x1bb: {  	_ =	shalt  }

// kernel: sparse-core-data-format-call.cloned.1.call-start
scs
called_computation_lowered:
.L_overlay_start_0:
0x0: {  	s2 =	sld [smem:$0x3FD9]  }
0x1: {  	s3 =	sld [smem:$0x3FFE];
	_ =	sdelay $0x1  }
0x2: {  	s1 =	srdreg.scid  }
0x3: {  	s0 =	sand.u32 $0x1, s1  }
0x4: {  	s18 =	sshll.u32 s0, $0xA;
	s2 =	sadd.s32 s3, s2  }
0x5: {  	s2 =	sadd.s32 s2, s18  }
0x6: {  	[smem:$0x3FC5] =	sst s2  }
0x7: {  	_ = 	snop  }
0x8: {  	s2 =	sld [smem:$0x3FD0];
	(tm) =	ssettm $0x1  }
0x9: {  	s19 =	sld [smem:$0x3FFB];
	_ =	sdelay $0x3  }
0xa: {  	_ =	strace s19  }
0xb: {  	s3 =	sld [smem:$0x3FFC];
	_ =	sdelay $0x3  }
0xc: {  	_ =	strace s3  }
0xd: {  	s3 =	sld [smem:$0x3FFD];
	_ =	sdelay $0x3  }
0xe: {  	_ =	strace s3  }
0xf: {  	_ =	strace $0x8FFFFFFF  }
0x10: {  	s20 =	sld [smem:$0x3FDB];
	_ =	sdelay $0x1  }
0x11: {  	s4 =	simm.s32 $_scs_section_size  }
0x12: {  	s5 =	simm.s32 $_size__tile_overlayer_lowered;
	s6 =	simm.s32 $_tile_overlayer_lowered  }
0x13: {  	s23 =	simm.s32 $0x1BFF;
	s22 =	sshll.u32 s6, $0x1;
	s3 =	sadd.s32 s4, s20  }
0x14: {  	s7 =	simm.s32 $0x0;
	s21 =	sshll.u32 s5, $0x1;
	s5 =	sadd.s32 s22, s3  }
0x15: {  	[timem:s7], [sflag:s23] =	dma.local [hbm:s5], s21  }
0x16: {  	_ =	swait.ge [sflag:s23], s21  }
0x17: {  	s4 =	ssub.s32 $0x0, s21;
	[sflag:s23] =	ssyncset.done $0x0  }
0x18: {  	[sflag:s23] =	ssyncadd.s32 s4;
	_ =	sdelay $0x1  }
0x19: {  	s24 =	simm.s32 $0x1B8B  }
0x1a: {  	_ =	swait.ge [sflag:s24], $0x1  }
0x1b: {  	[sflag:s24] =	ssyncset.done $0x0  }
0x1c: {  	s26 =	simm.s32 $0x1B8E;
	s25 =	sld [smem:$0x3FFE];
	[sflag:s24] =	ssyncadd.s32 $0xFFFFFFFF  }
0x1d: {  	s27 =	simm.s32 $execute0_lowered;
	[smem:$0x3FD2] =	sst s26  }
0x1e: {  	s5 =	sshll.u32 s27, $0x1;
	_ =	strace $0x80000049;
	[dreg:$0x1] =	wrdreg $0xFFFFFFFF  }
0x1f: {  	s28 =	simm.s32 $_size_execute0_lowered;
	s3 =	sadd.s32 s3, s5;
	[dreg:$0x0] =	wrdreg $0x0  }
0x20: {  	s5 =	sshll.u32 s28, $0x1;
	[dreg:$0x2] =	wrdreg s3  }
0x21: {  	[dreg:$0x3] =	wrdreg s5  }
0x22: {  	[dreg:$0x4] =	wrdreg $0xC0  }
0x23: {  	_ =	task [dreg:s7], $0x5FFFF  }
0x24: {  	[dreg:$0x1] =	wrdreg $0xFFFFFFFF  }
0x25: {  	[dreg:$0x0] =	wrdreg $0x60  }
0x26: {  	[dreg:$0x2] =	wrdreg s25  }
0x27: {  	[dreg:$0x3] =	wrdreg s2  }
0x28: {  	[dreg:$0x4] =	wrdreg $0x9  }
0x29: {  	_ =	task.clear_ibuf [dreg:s7], $0x5FFFF;
	_ =	strace $0x90000049  }
0x2a: {  	s29 =	simm.s32 $0x9;
	_ =	strace $0x8000004B  }
0x2b: {  	_ =	swait.ge [sflag:s29], $0x1  }
0x2c: {  	[sflag:s29] =	ssyncadd.s32 $0xFFFFFFFF  }
0x2d: {  	_ =	strace $0x9000004B  }
0x2e: {  	_ =	sfence  }
0x2f: {  	s30 =	sld [smem:$0x0];
	_ =	sdelay $0x2  }
0x30: {  	s31 =	sshll.u32 s1, $0xD;
	s1 =	sshrl.u32 s1, $0x2  }
0x31: {  	s3 =	sand.u32 $0x4000, s31;
	s1 =	sadd.s32 s1, s30  }
0x32: {  	s0 =	sor.u32 s3, s0;
	s1 =	sshll.u32 s1, $0x11  }
0x33: {  	s0 =	sor.u32 s1, s0  }
0x34: {  	s0 =	sadd.s32 $0x8F2B, s0  }
0x35: {  	[sflag:s0] =	ssyncadd.remote.s32 $0x1  }
0x36: {  	_ =	sfence.sel $0xFFFF  }
0x37: {  	[dreg:$0x0] =	wrdreg $0xFFFFFFFF;
	(pc) =	sbr.abs _section_cstart, $3  }
0x38: {  	[dreg:$0x1] =	wrdreg $0xFFFFFFFF  }
0x39: {  	_ =	task.clear_ibuf [dreg:s7], $0x2FFFF;
	_ =	strace $0x9FFFFFFF  }
0x3a: {  	(tm) =	ssettm $0x7FFFFFFF  }
0x3b: {  	_ =	shalt  }
tec
execute0_lowered:
.L_overlay_start_1:
0x0: {  	(tag) =	ssettag $0x1  }
0x1: {  	s0 =	srdreg.scid  }
0x2: {  	s1 =	sshll.u32 s0, $0x4  }
0x3: {  	s0 =	stileid.u32;
	s1 =	sand.u32 $0x10, s1  }
0x4: {  	s1 =	sor.u32 s0, s1  }
0x5: {  	s6 =	rddreg [dreg:$0x0];
	s4 =	simm.s32 $0x1;
	s2 =	sshll.u32 s1, $0x7  }
0x6: {  	s7 =	simm.s32 $0x2;
	s12 =	simm.s32 $0x0;
	s1 =	ssub.s32 $0x1000, s2  }
0x7: {  	s8 =	simm.s32 $0x8000;
	s13 =	simm.s32 $0x0;
	s3 =	sand.u32 $0xF80, s1  }
0x8: {  	s9 =	simm.s32 $0x0;
	s5 =	sshrl.u32 s1, $0xC;
	p0 =	sne.s32 s3, $0x0  }
.Ltmp0:
0x9: {  	s1 =	rddreg [dreg:$0x2];
	s4 =	simm.s32 @!p0 $0x0;
	(pc) =	sbr.rel .LBB1_1-.Ltmp0, $4  }
0xa: {  	s11 =	simm.s32 $0x0;
	s3 =	rddreg [dreg:$0x1];
	s5 =	sadd.s32 s4, s5  }
0xb: {  	_ =	strace $0x8000004A;
	s4 =	simm.s32 $0x1;
	s5 =	smul.u32 $0xC8, s5  }
0xc: {  	s6 =	sadd.s32 $0x800, s6;
	s10 =	smov.u32 s2;
	[sflag:s4] =	ssyncpa.u1 $0x0  }
0xd: {  	p0 =	por $0x0, $0x0;
	[sflag:s7] =	ssyncpa.u1 $0x0;
	s7 =	sor.u32 $0x1, s5  }
.LBB1_4:
0xe: {  	s16 =	sshll.u32 s13, $0x3;
	s17 =	sand.u32 $0x78, s13  }
0xf: {  	s30 =	sand.u32 $0x7E00, s13;
	s12 =	sshll.u32 s12, $0xF;
	s16 =	sand.u32 $0xC00, s16  }
0x10: {  	[tilespmem:s15+$0x810 ss:$0x81] =	vst.msk $0xffff, v2;
	s31 =	sand.u32 $0x7, s13;
	s16 =	sor.u32 s17, s16;
	s17 =	sadd.s32 s3, s30  }
0x11: {  	[tilespmem:s15+$0x1020 ss:$0x81] =	vst.msk $0xffff, v0;
	s13 =	sshll.u32 s31, $0x12;
	s12 =	sadd.s32 s12, s17;
	s16 =	sshrl.u32 s16, $0x3  }
0x12: {  	[tilespmem:s15+$0x0 ss:$0x81] =	vst.msk $0xffff, v1;
	s13 =	sor.u32 $0x400, s13;
	s12 =	sadd.s32 s16, s12  }
0x13: {  	[hbm4b:s12+s13] =	stream.strided.scatter [tilespmem:s14], [sflag:$0x2], $0x2000, s8, s13, $0x20;
	[tilespmem:$0x8080] =	vst v63  }
.LBB1_5:
0x14: {  	s14 =	sadd.s32 $0x1, s9  }
0x15: {  	s12 =	sadd.s32 $0x1000, s10;
	s16 =	smov.u32 s10;
	p2 =	sgt.s32 s14, $0xC7  }
0x16: {  	s16 =	smov.u32 @p2 s12  }
0x17: {  	s14 =	simm.s32 @p2 $0x0;
	p2 =	sgt.s32 s16, $0xFFF  }
0x18: {  	s16 =	smov.u32 @p2 s2;
	p2 =	sne.s32 s11, s7  }
.Ltmp1:
0x19: {  	p1 =	slt.u32 s11, $0x2;
	(pc) =	sbr.rel @!p2 .LBB1_6-.Ltmp1, $4  }
0x1a: {  	s15 =	simm.s32 @!p1 $0x2  }
0x1b: {  	s13 =	smov.u32 s10;
	p0 =	por !p0, !p0;
	_ =	swait.ge @!p1 [sflag:s15], $0x2000  }
0x1c: {  	s12 =	smov.u32 s9;
	[sflag:s15] =	ssyncset.done @!p1 $0x0;
	s9 =	smov.u32 s14  }
0x1d: {  	s11 =	sadd.s32 $0x1, s11;
	[sflag:s15] =	ssyncadd.s32 @!p1 $0xFFFFE000;
	s10 =	smov.u32 s16  }
.LBB1_1:
0x1e: {  	p1 =	sge.u32 s11, s5  }
0x1f: {  	s14 =	sand.u32 @!p1 $0x1FFFFFF, s9  }
0x20: {  	s15 =	smulhi.u32 @!p1 $0x147AE15, s14;
	_ =	sdelay $0x1  }
0x21: {  	s15 =	smul.u32 @!p1 $0xC8, s15  }
0x22: {  	s16 =	sxor.u32 @!p1 $0xFFFFFFFF, s11;
	s17 =	smul.u32 @!p1 $0xC80, s10  }
0x23: {  	s31 =	sadd.s32 $0xFFFFFFFF, s11;
	s16 =	sshll.u32 @!p1 s16, $0xD;
	s14 =	ssub.s32 @!p1 s14, s15  }
0x24: {  	s15 =	sand.u32 @!p1 $0x2000, s16;
	s16 =	sadd.s32 @!p1 s6, s17;
	s14 =	sshll.u32 @!p1 s14, $0x4  }
0x25: {  	s17 =	simm.s32 @!p1 $0x6400;
	s14 =	sadd.s32 @!p1 s14, s16;
	s16 =	simm.s32 @!p1 $0x40  }
0x26: {  	[tilespmem:s15], [sflag:$0x1] =	stream.strided.gather @!p1 [hbm4b:s14+s16], $0x2000, s17, s16, $0x38;
	[tilespmem:$0x8080] =	vst v63  }
0x27: {  	p1 =	sge.u32 s31, s5  }
.Ltmp2:
0x28: {  	_ = 	snop;
	(pc) =	sbr.rel @p1 .LBB1_5-.Ltmp2, $1  }
0x29: {  	_ =	sdelay $0x3  }
0x2a: {  	s14 =	simm.s32 $0x1  }
0x2b: {  	_ =	swait.ge [sflag:s4], $0x2000;
	s14 =	simm.s32 @!p0 $0x0  }
0x2c: {  	[sflag:s4] =	ssyncset.done $0x0;
	s15 =	sshll.u32 s14, $0xD  }
0x2d: {  	[sflag:s4] =	ssyncadd.s32 $0xFFFFE000;
	s18 =	sor.u32 $0x20, s15  }
0x2e: {  	s14 =	smul.u32 $0x8100, s14;
	v3 =	vld [tilespmem:s18+$0x10]  }
0x2f: {  	s30 =	sand.u32 $0x1, s11;
	v2 =	vld [tilespmem:s18+$0xFFFFFFF0]  }
0x30: {  	s15 =	smul.u32 $0x8100, s30;
	s14 =	sshrl.u32 s14, $0x2;
	v0 =	vld [tilespmem:s18+$0x0]  }
0x31: {  	v1 =	vld [tilespmem:s18+$0xFFFFFFE0];
	s16 =	sor.u32 $0x4000, s14  }
0x32: {  	s31 =	sshrl.u32 s15, $0x2;
	s15 =	sadd.s32 $0x0, s16  }
0x33: {  	s17 =	simm.s32 $0x4;
	s18 =	sadd.s32 $0x40, s18;
	s14 =	sor.u32 $0x4000, s31;
	[tilespmem:s15+$0x1830 ss:$0x81] =	vst.msk $0xffff, v3  }
.LBB1_3:
0x34: {  	v3 =	vld [tilespmem:s18+$0x10];
	p1 =	sne.s32 s17, $0x1FC;
	[tilespmem:s15+$0x810 ss:$0x81] =	vst.msk $0xffff, v2;
	s19 =	smov.u32 s17;
	s17 =	sadd.s32 $0x4, s17  }
.Ltmp3:
0x35: {  	v2 =	vld [tilespmem:s18+$0xFFFFFFF0];
	[tilespmem:s15+$0x1020 ss:$0x81] =	vst.msk $0xffff, v0;
	(pc) =	sbr.rel @p1 .LBB1_3-.Ltmp3, $4  }
0x36: {  	v0 =	vld [tilespmem:s18+$0x0];
	[tilespmem:s15+$0x0 ss:$0x81] =	vst.msk $0xffff, v1  }
0x37: {  	s15 =	sshra.s32 s19, $0x2;
	v1 =	vld [tilespmem:s18+$0xFFFFFFE0]  }
0x38: {  	s15 =	sadd.s32 s15, s16  }
0x39: {  	s18 =	sadd.s32 $0x40, s18;
	[tilespmem:s15+$0x1830 ss:$0x81] =	vst.msk $0xffff, v3  }
.Ltmp4:
0x3a: {  	_ = 	snop;
	(pc) =	sbr.rel .LBB1_4-.Ltmp4, $1  }
0x3b: {  	_ =	sdelay $0x3  }
.LBB1_6:
0x3c: {  	_ =	sfence.sel $0x180000  }
0x3d: {  	s2 =	simm.s32 $0x1;
	[bflag:$0x0] =	sbarrier.arrive $0xFFFF  }
0x3e: {  	s31 =	simm.s32 $0x2;
	[sflag:s2] =	ssyncpa.u1 $0x1  }
0x3f: {  	[sflag:s31] =	ssyncpa.u1 $0x1  }
0x40: {  	p0 =	sne.s32 s0, $0x0;
	_ =	strace $0x9000004A  }
0x41: {  	s0 =	sadd.s32 @!p0 $0x100000, s1;
	[bflag:$0x2] =	sbarrier.arrive $0xFFFF  }
0x42: {  	[sflag:s0] =	ssyncadd.tile.s32 @!p0 $0x1;
	_ =	shalt  }
.Lfunc_end1:
_tile_overlayer_lowered:
.L_overlay_start_2:
0x43: {  	(tag) =	ssettag $0x2  }
0x44: {  	s0 =	rddreg [dreg:$0x0];
	s2 =	stileid.u32  }
0x45: {  	s1 =	rddreg [dreg:$0x1];
	p0 =	sne.s32 s2, $0x0  }
0x46: {  	s3 =	rddreg [dreg:$0x2];
	[bflag:$0x3] =	sbarrier.arrive $0xFFFF;
	s2 =	simm.s32 @!p0 $0x1C01  }
0x47: {  	[timem:s3], [sflag:s2] =	dma.local @!p0 [hbm:s0], s1  }
0x48: {  	s0 =	simm.s32 @!p0 $0x1  }
0x49: {  	_ =	swait.ge @!p0 [sflag:s0], s1  }
0x4a: {  	s1 =	ssub.s32 @!p0 $0x0, s1;
	[sflag:s0] =	ssyncset.done @!p0 $0x0  }
0x4b: {  	[sflag:s0] =	ssyncadd.s32 @!p0 s1  }
0x4c: {  	[bflag:$0x3] =	sbarrier.arrive $0xFFFF  }
0x4d: {  	_ =	shalt  }

</sc_bundles>
